<compile_context>
chip_gen: v7x
topology: tpu7x:2x2x1
jax: 0.10.2.dev20260603
libtpu: 0.0.44.dev20260713+nightly
codegen_flags: <defaults>
</compile_context>

<pallas_src>
import functools

import jax
import jax.numpy as jnp
from jax.experimental import pallas as pl
from jax.experimental.pallas import tpu as pltpu
from jax.experimental.pallas import tpu_sc as plsc

N = 10000
D = 128
HID = 128
OUT = 256
RATIO = 0.5
R = 0.2
MAX_NB = 32
M = int(N * RATIO)

SUB = 8
LANES = -(-N // (SUB * 128)) * 128
TOTAL = SUB * LANES


def _fps_body(posr_ref, xg_ref, yg_ref, zg_ref, idx_ref, cen_ref):
    sub_i = jax.lax.broadcasted_iota(jnp.int32, (SUB, LANES), 0)
    lane_i = jax.lax.broadcasted_iota(jnp.int32, (SUB, LANES), 1)
    iota = sub_i * LANES + lane_i
    valid = iota < N
    big = jnp.int32(N)
    dd0 = jnp.where(valid, jnp.inf, -jnp.inf).astype(jnp.float32)

    idx_ref[pl.ds(0, 1), :] = jnp.zeros((1, 1), jnp.int32)
    cen_ref[pl.ds(0, 1), :] = posr_ref[pl.ds(0, 1), :]

    def body(i, carry):
        dd, last = carry
        rowp = posr_ref[pl.ds(last, 1), :]
        bx = jnp.broadcast_to(rowp[0:1, 0:1], (SUB, LANES))
        by = jnp.broadcast_to(rowp[0:1, 1:2], (SUB, LANES))
        bz = jnp.broadcast_to(rowp[0:1, 2:3], (SUB, LANES))
        dx = xg_ref[:, :] - bx
        dy = yg_ref[:, :] - by
        dz = zg_ref[:, :] - bz
        d = dx * dx + dy * dy + dz * dz
        dd = jnp.minimum(dd, d)
        mx = jnp.max(dd)
        nxt = jnp.min(jnp.where(dd == mx, iota, big)).astype(jnp.int32)
        idx_ref[pl.ds(i, 1), :] = jnp.full((1, 1), 0, jnp.int32) + nxt
        cen_ref[pl.ds(i, 1), :] = posr_ref[pl.ds(nxt, 1), :]
        return (dd, nxt)

    jax.lax.fori_loop(1, M, body, (dd0, jnp.int32(0)))


def _fps_pallas(pos):
    pad = jnp.zeros((TOTAL - N,), jnp.float32)
    xg = jnp.concatenate([pos[:, 0], pad]).reshape(SUB, LANES)
    yg = jnp.concatenate([pos[:, 1], pad]).reshape(SUB, LANES)
    zg = jnp.concatenate([pos[:, 2], pad]).reshape(SUB, LANES)
    idx2, cen = pl.pallas_call(
        _fps_body,
        out_shape=(
            jax.ShapeDtypeStruct((M, 1), jnp.int32),
            jax.ShapeDtypeStruct((M, 3), jnp.float32),
        ),
    )(pos, xg, yg, zg)
    return idx2[:, 0], cen


QBITS = 17
JBITS = 14
JMASK = (1 << JBITS) - 1
KSCALE = float((2 ** QBITS - 1) / (R * R))
SENT = 2 ** 31 - 1
PPAD = 10240
MPAD = 5120
CBLK = 256
PBLK = 2560


def _keys_body(cen_ref, posT_ref, pn2_ref, keys_ref):
    c = cen_ref[:, :]
    pT = posT_ref[:, :]
    pn2 = pn2_ref[:, :]
    cn2 = jnp.sum(c * c, axis=1, keepdims=True)
    dot = jnp.dot(c, pT, preferred_element_type=jnp.float32)
    d2 = cn2 + pn2 - 2.0 * dot
    q = jnp.maximum(jnp.int32(0), (d2 * KSCALE).astype(jnp.int32))
    j = jax.lax.broadcasted_iota(jnp.int32, (CBLK, PBLK), 1)
    base = pl.program_id(1) * PBLK
    key = jnp.where(d2 <= R * R, (q << JBITS) | (j + base), jnp.int32(SENT))
    keys_ref[:, :] = key


def _keys_pallas(centers, pos):
    cenp = jnp.concatenate(
        [centers, jnp.full((MPAD - M, 3), 100.0, jnp.float32)], axis=0)
    posT = jnp.concatenate(
        [pos.T, jnp.full((3, PPAD - N), 50.0, jnp.float32)], axis=1)
    pn2 = jnp.sum(posT * posT, axis=0, keepdims=True)
    keys = pl.pallas_call(
        _keys_body,
        grid=(MPAD // CBLK, PPAD // PBLK),
        in_specs=[
            pl.BlockSpec((CBLK, 3), lambda i, j: (i, 0)),
            pl.BlockSpec((3, PBLK), lambda i, j: (0, j)),
            pl.BlockSpec((1, PBLK), lambda i, j: (0, j)),
        ],
        out_specs=pl.BlockSpec((CBLK, PBLK), lambda i, j: (i, j)),
        out_shape=jax.ShapeDtypeStruct((MPAD, PPAD), jnp.int32),
    )(cenp, posT, pn2)
    return keys


def _select_topk(keys):
    skey = -jax.lax.top_k(-keys, MAX_NB)[0]
    valid = skey != SENT
    nbr = jnp.where(valid, skey & JMASK, 0)
    return nbr, valid


TBLC = 256
YBLK = 1000


def _table_body(x_ref, pos_ref, wm_ref, bm_ref, tab_ref):
    xb = x_ref[:, :]
    y = jnp.dot(xb, wm_ref[:, :], preferred_element_type=jnp.float32) + bm_ref[:, :]
    tab_ref[:, 0:D] = y
    tab_ref[:, D:D + 3] = pos_ref[:, :]
    tab_ref[:, D + 3:TBLC] = jnp.zeros((YBLK, TBLC - D - 3), jnp.float32)


def _table_pallas(x, pos, W_msg, b_msg):
    tab = pl.pallas_call(
        _table_body,
        grid=(N // YBLK,),
        in_specs=[
            pl.BlockSpec((YBLK, D), lambda i: (i, 0)),
            pl.BlockSpec((YBLK, 3), lambda i: (i, 0)),
            pl.BlockSpec((D, HID), lambda i: (0, 0)),
            pl.BlockSpec((1, HID), lambda i: (0, 0)),
        ],
        out_specs=pl.BlockSpec((YBLK, TBLC), lambda i: (i, 0)),
        out_shape=jax.ShapeDtypeStruct((N, TBLC), jnp.float32),
    )(x, pos, W_msg[:D], b_msg[None, :])
    return tab


SC_NW = 32
EDGES = MAX_NB * MPAD
E_PER_W = EDGES // SC_NW
ECHUNK = 128
NECH = E_PER_W // ECHUNK
C_PER_W = MPAD // SC_NW


def _sc_gather_body(tab_hbm, x_hbm, bat_hbm, colt_hbm, idx_hbm,
                    ge_hbm, gx_hbm, gb_hbm,
                    idx_v, idx_v2, rows_v, rows_v2, xrows_v, brows_v,
                    sem, sem2):
    c = jax.lax.axis_index("c")
    s = jax.lax.axis_index("s")
    wid = s * 2 + c
    ebase = wid * E_PER_W

    ibufs = (idx_v, idx_v2)
    rbufs = (rows_v, rows_v2)
    sems = (sem, sem2)

    pltpu.sync_copy(colt_hbm.at[pl.ds(ebase, ECHUNK)], idx_v)
    pltpu.async_copy(tab_hbm.at[idx_v], rows_v, sem)

    def echunk(t, carry):
        cur = jax.lax.rem(t, 2)
        for b in range(2):

            @pl.when(cur == b)
            def _():
                nxt_i, nxt_r, nxt_s = ibufs[1 - b], rbufs[1 - b], sems[1 - b]

                @pl.when(t + 1 < NECH)
                def _():
                    noff = ebase + (t + 1) * ECHUNK
                    pltpu.sync_copy(colt_hbm.at[pl.ds(noff, ECHUNK)], nxt_i)
                    pltpu.async_copy(tab_hbm.at[nxt_i], nxt_r, nxt_s)

                pltpu.make_async_copy(tab_hbm.at[ibufs[b]], rbufs[b], sems[b]).wait()
                off = ebase + t * ECHUNK
                pltpu.sync_copy(rbufs[b], ge_hbm.at[pl.ds(off, ECHUNK)])

        return carry

    jax.lax.fori_loop(0, NECH, echunk, 0)

    cbase = wid * C_PER_W
    pltpu.sync_copy(idx_hbm.at[pl.ds(cbase, 128)], idx_v)
    pltpu.async_copy(x_hbm.at[idx_v], xrows_v, sem).wait()
    pltpu.sync_copy(xrows_v, gx_hbm.at[pl.ds(cbase, 128)])
    pltpu.async_copy(bat_hbm.at[idx_v], brows_v, sem).wait()
    pltpu.sync_copy(brows_v, gb_hbm.at[pl.ds(cbase, 128)])

    idx_v2 = idx_v.at[pl.ds(0, 32)]
    pltpu.sync_copy(idx_hbm.at[pl.ds(cbase + 128, 32)], idx_v2)
    xrows_v2 = xrows_v.at[pl.ds(0, 32)]
    pltpu.async_copy(x_hbm.at[idx_v2], xrows_v2, sem).wait()
    pltpu.sync_copy(xrows_v2, gx_hbm.at[pl.ds(cbase + 128, 32)])
    brows_v2 = brows_v.at[pl.ds(0, 32)]
    pltpu.async_copy(bat_hbm.at[idx_v2], brows_v2, sem).wait()
    pltpu.sync_copy(brows_v2, gb_hbm.at[pl.ds(cbase + 128, 32)])


def _sc_gather(tab, x, batpad, col_t, idx_pad):
    mesh = plsc.VectorSubcoreMesh(core_axis_name="c", subcore_axis_name="s")
    fn = functools.partial(
        pl.kernel,
        mesh=mesh,
        out_type=(
            jax.ShapeDtypeStruct((EDGES, TBLC), jnp.float32),
            jax.ShapeDtypeStruct((MPAD, D), jnp.float32),
            jax.ShapeDtypeStruct((MPAD, 128), jnp.int32),
        ),
        scratch_types=[
            pltpu.VMEM((ECHUNK,), jnp.int32),
            pltpu.VMEM((ECHUNK,), jnp.int32),
            pltpu.VMEM((ECHUNK, TBLC), jnp.float32),
            pltpu.VMEM((ECHUNK, TBLC), jnp.float32),
            pltpu.VMEM((128, D), jnp.float32),
            pltpu.VMEM((128, 128), jnp.int32),
            pltpu.SemaphoreType.DMA,
            pltpu.SemaphoreType.DMA,
        ],
    )(_sc_gather_body)
    return fn(tab, x, batpad, col_t, idx_pad)


EBLK = 128


def _edge_body(ge_ref, vm_ref, cen_ref, gx_ref, wl_ref, wp_ref, bp_ref,
               bu_ref, wua_ref, wub_ref, xo_ref, po_ref):
    wlast = wl_ref[:, :]
    cen = cen_ref[:, :]
    cnt = jnp.sum(vm_ref[:, :], axis=1, keepdims=True)

    def kstep(k, carry):
        acc_x, acc_p = carry
        yk = ge_ref[k, :, 0:D]
        pj = ge_ref[k, :, D:D + 3]
        diff = pj - cen
        d2e = jnp.sum(diff * diff, axis=1, keepdims=True)
        dist = jnp.sqrt(d2e + 1e-12)
        e = jax.nn.relu(yk + dist * wlast)
        w3 = jnp.dot(e, wp_ref[:, :], preferred_element_type=jnp.float32) + bp_ref[:, :]
        vm = jnp.clip(cnt - k.astype(jnp.float32), 0.0, 1.0)
        acc_x = acc_x + e * vm
        acc_p = acc_p + diff * w3 * vm
        return (acc_x, acc_p)

    acc_x0 = jnp.zeros((EBLK, HID), jnp.float32)
    acc_p0 = jnp.zeros((EBLK, 3), jnp.float32)
    acc_x, acc_p = jax.lax.fori_loop(0, MAX_NB, kstep, (acc_x0, acc_p0))
    xo = (jnp.dot(gx_ref[:, :], wua_ref[:, :], preferred_element_type=jnp.float32)
          + jnp.dot(acc_x, wub_ref[:, :], preferred_element_type=jnp.float32)
          + bu_ref[:, :])
    xo_ref[:, :] = jax.nn.relu(xo)
    po_ref[:, :] = cen + acc_p / jnp.maximum(cnt, 1.0)


def _edge_pallas(ge, vmask, centers_pad, gx, W_msg, W_pos, b_pos, b_upd, W_upd):
    ge3 = ge.reshape(MAX_NB, MPAD, TBLC)
    xo, po = pl.pallas_call(
        _edge_body,
        grid=(MPAD // EBLK,),
        in_specs=[
            pl.BlockSpec((MAX_NB, EBLK, TBLC), lambda i: (0, i, 0)),
            pl.BlockSpec((EBLK, MAX_NB), lambda i: (i, 0)),
            pl.BlockSpec((EBLK, 3), lambda i: (i, 0)),
            pl.BlockSpec((EBLK, D), lambda i: (i, 0)),
            pl.BlockSpec((1, HID), lambda i: (0, 0)),
            pl.BlockSpec((HID, 3), lambda i: (0, 0)),
            pl.BlockSpec((1, 3), lambda i: (0, 0)),
            pl.BlockSpec((1, OUT), lambda i: (0, 0)),
            pl.BlockSpec((D, OUT), lambda i: (0, 0)),
            pl.BlockSpec((HID, OUT), lambda i: (0, 0)),
        ],
        out_specs=(
            pl.BlockSpec((EBLK, OUT), lambda i: (i, 0)),
            pl.BlockSpec((EBLK, 3), lambda i: (i, 0)),
        ),
        out_shape=(
            jax.ShapeDtypeStruct((MPAD, OUT), jnp.float32),
            jax.ShapeDtypeStruct((MPAD, 3), jnp.float32),
        ),
    )(ge3, vmask, centers_pad, gx, W_msg[D][None, :], W_pos, b_pos[None, :],
      b_upd[None, :], W_upd[:D], W_upd[D:])
    return xo[:M], po[:M]


def kernel(x, pos, W_msg, b_msg, W_pos, b_pos, W_upd, b_upd, batch):
    idx, centers = _fps_pallas(pos)
    keys = _keys_pallas(centers, pos)
    nbr, valid = _select_topk(keys)
    vmask = valid.astype(jnp.float32)
    col_t = nbr.T.reshape(-1)
    tab = _table_pallas(x, pos, W_msg, b_msg)
    batpad = jnp.broadcast_to(batch[:, None], (N, 128)).astype(jnp.int32)
    idx_pad = jnp.concatenate([idx, jnp.zeros((MPAD - M,), jnp.int32)])
    ge, gx, gb = _sc_gather(tab, x, batpad, col_t, idx_pad)
    centers_pad = jnp.concatenate(
        [centers, jnp.zeros((MPAD - M, 3), jnp.float32)], axis=0)
    x_out, pos_out = _edge_pallas(ge, vmask, centers_pad, gx, W_msg, W_pos,
                                  b_pos, b_upd, W_upd)
    batch_out = gb[:M, 0]
    return (x_out, pos_out, batch_out)

# --- scband reference (transcript-rebuilt; emitter-appended) ---
"""Pipeline reference for scband-samodule-66529043415497 (READ-ONLY COPY).

The authoritative reference and input builder live on the scoring server;
editing this copy changes nothing except your own understanding.
"""

import jax, jax.numpy as jnp
import numpy as np

N = 10000
D = 128
HID = 128
OUT = 256
RATIO = 0.5
R = 0.2
MAX_NB = 32
M = int(N * RATIO)


def setup_inputs(seed: int = 0):
    key = jax.random.key(seed)
    ks = jax.random.split(key, 8)
    x = jax.random.normal(ks[0], (N, D), dtype=jnp.float32)
    pos = jax.random.uniform(ks[1], (N, 3), dtype=jnp.float32)
    batch = jnp.zeros((N,), dtype=jnp.int32)
    W_msg = jax.random.normal(ks[2], (D + 1, HID), dtype=jnp.float32) * 0.05
    b_msg = jnp.zeros((HID,), dtype=jnp.float32)
    W_pos = jax.random.normal(ks[3], (HID, 3), dtype=jnp.float32) * 0.05
    b_pos = jnp.zeros((3,), dtype=jnp.float32)
    W_upd = jax.random.normal(ks[4], (D + HID, OUT), dtype=jnp.float32) * 0.05
    b_upd = jnp.zeros((OUT,), dtype=jnp.float32)
    return {"x": x, "pos": pos, "W_msg": W_msg, "b_msg": b_msg, "W_pos": W_pos, "b_pos": b_pos, "W_upd": W_upd, "b_upd": b_upd, "batch": batch}


def _fps(pos):
    dists = jnp.full((N,), jnp.inf, dtype=jnp.float32)
    idx0 = jnp.zeros((M,), dtype=jnp.int32)

    def body(i, carry):
        idx, dd = carry
        last = idx[i - 1]
        d = jnp.sum((pos - pos[last]) ** 2, axis=-1)
        dd = jnp.minimum(dd, d)
        nxt = jnp.argmax(dd).astype(jnp.int32)
        idx = idx.at[i].set(nxt)
        return (idx, dd)

    idx, _ = jax.lax.fori_loop(1, M, body, (idx0, dists))
    return idx


def _radius_graph(pos, centers):
    pn2 = jnp.sum(pos ** 2, axis=-1)
    cn2 = jnp.sum(centers ** 2, axis=-1)
    d2 = cn2[:, None] + pn2[None, :] - 2.0 * (centers @ pos.T)
    neg = jnp.where(d2 <= R * R, -d2, -jnp.inf)
    vals, nbr = jax.lax.top_k(neg, MAX_NB)
    valid = jnp.isfinite(vals)
    return nbr.astype(jnp.int32), valid


def reference(x, pos, W_msg, b_msg, W_pos, b_pos, W_upd, b_upd, batch):
    sg = jax.lax.stop_gradient
    idx = _fps(sg(pos))
    centers = pos[idx]
    nbr, valid = _radius_graph(sg(pos), sg(centers))
    row = jnp.broadcast_to(jnp.arange(M, dtype=jnp.int32)[:, None], (M, MAX_NB)).reshape(-1)
    col = nbr.reshape(-1)
    vmask = valid.reshape(-1).astype(jnp.float32)
    x_j = x[col]
    pos_j = pos[col]
    pos_i = centers[row]
    diff = pos_j - pos_i
    dist = jnp.sqrt(jnp.sum(diff ** 2, axis=-1, keepdims=True) + 1e-12)
    feat = jnp.concatenate([x_j, dist], axis=-1)
    edge_emb = jax.nn.relu(feat @ W_msg + b_msg)
    w = edge_emb @ W_pos + b_pos
    pos_msg = diff * w
    edge_emb = edge_emb * vmask[:, None]
    pos_msg = pos_msg * vmask[:, None]
    aggr_x = jax.ops.segment_sum(edge_emb, row, num_segments=M)
    cnt = jax.ops.segment_sum(vmask, row, num_segments=M)
    aggr_pos = jax.ops.segment_sum(pos_msg, row, num_segments=M) / jnp.maximum(cnt, 1.0)[:, None]
    x_dest = x[idx]
    x_out = jax.nn.relu(jnp.concatenate([x_dest, aggr_x], axis=-1) @ W_upd + b_upd)
    pos_out = centers + aggr_pos
    batch_out = batch[idx]
    return (x_out, pos_out, batch_out)

if __name__ == "__main__":
    import jax
    _d = setup_inputs()
    print(jax.jit(kernel)(*tuple(_d.values())))

</pallas_src>

<mosaic_0001>
#map = affine_map<(d0, d1) -> (0, 0)>
#map1 = affine_map<(d0, d1) -> (0)>
module attributes {stable_mosaic.version = 14 : i64} {
  func.func @_sc_gather_body(%arg0: i32, %arg1: i32, %arg2: memref<10000x256xf32, #tpu.memory_space<hbm>>, %arg3: memref<10000x128xf32, #tpu.memory_space<hbm>>, %arg4: memref<10000x128xi32, #tpu.memory_space<hbm>>, %arg5: memref<163840xi32, #tpu.memory_space<hbm>>, %arg6: memref<5120xi32, #tpu.memory_space<hbm>>, %arg7: memref<163840x256xf32, #tpu.memory_space<hbm>>, %arg8: memref<5120x128xf32, #tpu.memory_space<hbm>>, %arg9: memref<5120x128xi32, #tpu.memory_space<hbm>>, %arg10: memref<128xi32, #tpu.memory_space<vmem>>, %arg11: memref<128xi32, #tpu.memory_space<vmem>>, %arg12: memref<128x256xf32, #tpu.memory_space<vmem>>, %arg13: memref<128x256xf32, #tpu.memory_space<vmem>>, %arg14: memref<128x128xf32, #tpu.memory_space<vmem>>, %arg15: memref<128x128xi32, #tpu.memory_space<vmem>>, %arg16: memref<!tpu.dma_semaphore, #tpu.memory_space<semaphore_mem>>, %arg17: memref<!tpu.dma_semaphore, #tpu.memory_space<semaphore_mem>>) attributes {dimension_semantics = [#tpu.dimension_semantics<core_parallel>, #tpu.dimension_semantics<subcore_parallel>], iteration_bounds = array<i64: 2, 16>, scalar_prefetch = 0 : i64, scratch_operands = 8 : i64, tpu.core_type = #tpu.core_type<sc_vector_subcore>, window_params = [{transform_indices = #map}, {transform_indices = #map}, {transform_indices = #map}, {transform_indices = #map1}, {transform_indices = #map1}, {transform_indices = #map}, {transform_indices = #map}, {transform_indices = #map}]} {
    %mul3A = arith.constant 2 : i32
    %mul3A_0 = arith.muli %arg1, %mul3A : i32
    %add3A = arith.addi %mul3A_0, %arg0 : i32
    %mul3A_1 = arith.constant 5120 : i32
    %mul3A_2 = arith.muli %add3A, %mul3A_1 : i32
    "tpu.region"() ({
      %run_scoped3A = tpu.sem_alloc : memref<!tpu.dma_semaphore, #tpu.memory_space<semaphore_mem>>
      %dma_start3A_61 = tpu.memref_slice %arg5[%mul3A_2] : memref<163840xi32, #tpu.memory_space<hbm>> -> memref<128xi32, #tpu.memory_space<hbm>>
      %dma_start3A_62 = tpu.memref_slice %arg5[%mul3A_2] : memref<163840xi32, #tpu.memory_space<hbm>> -> memref<128xi32, #tpu.memory_space<hbm>>
      tpu.enqueue_dma source(%dma_start3A_62 : memref<128xi32, #tpu.memory_space<hbm>>) target(%arg10 : memref<128xi32, #tpu.memory_space<vmem>>) target_semaphore(%run_scoped3A : memref<!tpu.dma_semaphore, #tpu.memory_space<semaphore_mem>>)
      %dma_wait3A_63 = tpu.memref_slice %arg5[%mul3A_2] : memref<163840xi32, #tpu.memory_space<hbm>> -> memref<128xi32, #tpu.memory_space<hbm>>
      %dma_wait3A_64 = tpu.memref_slice %arg5[%mul3A_2] : memref<163840xi32, #tpu.memory_space<hbm>> -> memref<128xi32, #tpu.memory_space<hbm>>
      tpu.wait_dma2 semaphore(%run_scoped3A : memref<!tpu.dma_semaphore, #tpu.memory_space<semaphore_mem>>) src(%dma_wait3A_64 : memref<128xi32, #tpu.memory_space<hbm>>) dst(%arg10 : memref<128xi32, #tpu.memory_space<vmem>>)
      tpu.yield
    }) : () -> ()
    %dma_start3A = arith.constant 0 : i32
    %dma_start3A_3 = arith.constant 0 : i32
    %dma_start3A_4 = tpu.memref_slice %arg2[%dma_start3A, %dma_start3A_3] : memref<10000x256xf32, #tpu.memory_space<hbm>> -> memref<10000x256xf32, #tpu.memory_space<hbm>>
    tpu.enqueue_indirect_dma source(%dma_start3A_4 : memref<10000x256xf32, #tpu.memory_space<hbm>>) target(%arg12 : memref<128x256xf32, #tpu.memory_space<vmem>>) offsets(%arg10 : memref<128xi32, #tpu.memory_space<vmem>>) semaphore(%arg16 : memref<!tpu.dma_semaphore, #tpu.memory_space<semaphore_mem>>)
    %scan3A = arith.constant 0 : i32
    %scan3A_5 = arith.constant 0 : i32
    %scan3A_6 = arith.constant 40 : i32
    %scan3A_7 = arith.addi %scan3A_5, %scan3A_6 : i32
    %scan3A_8 = arith.constant 1 : i32
    scf.for %scan3A_61 = %scan3A_5 to %scan3A_7 step %scan3A_8  : i32 {
      %rem3A = arith.constant 2 : i32
      %rem3A_62 = arith.remsi %scan3A_61, %rem3A : i32
      %eq3A = arith.constant 0 : i32
      %eq3A_63 = arith.cmpi eq, %rem3A_62, %eq3A : i32
      %convert_element_type3A = arith.extui %eq3A_63 : i1 to i32
      %cond3A = arith.constant 0 : i32
      %cond3A_64 = arith.cmpi ne, %convert_element_type3A, %cond3A : i32
      scf.if %cond3A_64 {
        %add3A_70 = arith.constant 1 : i32
        %add3A_71 = arith.addi %scan3A_61, %add3A_70 : i32
        %lt3A = arith.constant 40 : i32
        %lt3A_72 = arith.cmpi slt, %add3A_71, %lt3A : i32
        %convert_element_type3A_73 = arith.extui %lt3A_72 : i1 to i32
        %cond3A_74 = arith.constant 0 : i32
        %cond3A_75 = arith.cmpi ne, %convert_element_type3A_73, %cond3A_74 : i32
        scf.if %cond3A_75 {
          %add3A_82 = arith.constant 1 : i32
          %add3A_83 = arith.addi %scan3A_61, %add3A_82 : i32
          %mul3A_84 = arith.constant 128 : i32
          %mul3A_85 = arith.muli %add3A_83, %mul3A_84 : i32
          %add3A_86 = arith.addi %mul3A_2, %mul3A_85 : i32
          "tpu.region"() ({
            %run_scoped3A = tpu.sem_alloc : memref<!tpu.dma_semaphore, #tpu.memory_space<semaphore_mem>>
            %dma_start3A_90 = tpu.memref_slice %arg5[%add3A_86] : memref<163840xi32, #tpu.memory_space<hbm>> -> memref<128xi32, #tpu.memory_space<hbm>>
            %dma_start3A_91 = tpu.memref_slice %arg5[%add3A_86] : memref<163840xi32, #tpu.memory_space<hbm>> -> memref<128xi32, #tpu.memory_space<hbm>>
            tpu.enqueue_dma source(%dma_start3A_91 : memref<128xi32, #tpu.memory_space<hbm>>) target(%arg11 : memref<128xi32, #tpu.memory_space<vmem>>) target_semaphore(%run_scoped3A : memref<!tpu.dma_semaphore, #tpu.memory_space<semaphore_mem>>)
            %dma_wait3A_92 = tpu.memref_slice %arg5[%add3A_86] : memref<163840xi32, #tpu.memory_space<hbm>> -> memref<128xi32, #tpu.memory_space<hbm>>
            %dma_wait3A_93 = tpu.memref_slice %arg5[%add3A_86] : memref<163840xi32, #tpu.memory_space<hbm>> -> memref<128xi32, #tpu.memory_space<hbm>>
            tpu.wait_dma2 semaphore(%run_scoped3A : memref<!tpu.dma_semaphore, #tpu.memory_space<semaphore_mem>>) src(%dma_wait3A_93 : memref<128xi32, #tpu.memory_space<hbm>>) dst(%arg11 : memref<128xi32, #tpu.memory_space<vmem>>)
            tpu.yield
          }) : () -> ()
          %dma_start3A_87 = arith.constant 0 : i32
          %dma_start3A_88 = arith.constant 0 : i32
          %dma_start3A_89 = tpu.memref_slice %arg2[%dma_start3A_87, %dma_start3A_88] : memref<10000x256xf32, #tpu.memory_space<hbm>> -> memref<10000x256xf32, #tpu.memory_space<hbm>>
          tpu.enqueue_indirect_dma source(%dma_start3A_89 : memref<10000x256xf32, #tpu.memory_space<hbm>>) target(%arg13 : memref<128x256xf32, #tpu.memory_space<vmem>>) offsets(%arg11 : memref<128xi32, #tpu.memory_space<vmem>>) semaphore(%arg17 : memref<!tpu.dma_semaphore, #tpu.memory_space<semaphore_mem>>)
        } else {
        }
        %dma_wait3A_76 = arith.constant 0 : i32
        %dma_wait3A_77 = arith.constant 0 : i32
        %dma_wait3A_78 = tpu.memref_slice %arg2[%dma_wait3A_76, %dma_wait3A_77] : memref<10000x256xf32, #tpu.memory_space<hbm>> -> memref<10000x256xf32, #tpu.memory_space<hbm>>
        tpu.wait_indirect_dma semaphore(%arg16 : memref<!tpu.dma_semaphore, #tpu.memory_space<semaphore_mem>>) src(%dma_wait3A_78 : memref<10000x256xf32, #tpu.memory_space<hbm>>) dst(%arg12 : memref<128x256xf32, #tpu.memory_space<vmem>>)
        %mul3A_79 = arith.constant 128 : i32
        %mul3A_80 = arith.muli %scan3A_61, %mul3A_79 : i32
        %add3A_81 = arith.addi %mul3A_2, %mul3A_80 : i32
        "tpu.region"() ({
          %run_scoped3A = tpu.sem_alloc : memref<!tpu.dma_semaphore, #tpu.memory_space<semaphore_mem>>
          %dma_start3A_82 = arith.constant 0 : i32
          %dma_start3A_83 = tpu.memref_slice %arg7[%add3A_81, %dma_start3A_82] : memref<163840x256xf32, #tpu.memory_space<hbm>> -> memref<128x256xf32, #tpu.memory_space<hbm>>
          %dma_start3A_84 = arith.constant 0 : i32
          %dma_start3A_85 = tpu.memref_slice %arg7[%add3A_81, %dma_start3A_84] : memref<163840x256xf32, #tpu.memory_space<hbm>> -> memref<128x256xf32, #tpu.memory_space<hbm>>
          tpu.enqueue_dma source(%arg12 : memref<128x256xf32, #tpu.memory_space<vmem>>) target(%dma_start3A_85 : memref<128x256xf32, #tpu.memory_space<hbm>>) target_semaphore(%run_scoped3A : memref<!tpu.dma_semaphore, #tpu.memory_space<semaphore_mem>>)
          %dma_wait3A_86 = arith.constant 0 : i32
          %dma_wait3A_87 = tpu.memref_slice %arg7[%add3A_81, %dma_wait3A_86] : memref<163840x256xf32, #tpu.memory_space<hbm>> -> memref<128x256xf32, #tpu.memory_space<hbm>>
          %dma_wait3A_88 = arith.constant 0 : i32
          %dma_wait3A_89 = tpu.memref_slice %arg7[%add3A_81, %dma_wait3A_88] : memref<163840x256xf32, #tpu.memory_space<hbm>> -> memref<128x256xf32, #tpu.memory_space<hbm>>
          tpu.wait_dma2 semaphore(%run_scoped3A : memref<!tpu.dma_semaphore, #tpu.memory_space<semaphore_mem>>) src(%arg12 : memref<128x256xf32, #tpu.memory_space<vmem>>) dst(%dma_wait3A_89 : memref<128x256xf32, #tpu.memory_space<hbm>>)
          tpu.yield
        }) : () -> ()
      } else {
      }
      %eq3A_65 = arith.constant 1 : i32
      %eq3A_66 = arith.cmpi eq, %rem3A_62, %eq3A_65 : i32
      %convert_element_type3A_67 = arith.extui %eq3A_66 : i1 to i32
      %cond3A_68 = arith.constant 0 : i32
      %cond3A_69 = arith.cmpi ne, %convert_element_type3A_67, %cond3A_68 : i32
      scf.if %cond3A_69 {
        %add3A_70 = arith.constant 1 : i32
        %add3A_71 = arith.addi %scan3A_61, %add3A_70 : i32
        %lt3A = arith.constant 40 : i32
        %lt3A_72 = arith.cmpi slt, %add3A_71, %lt3A : i32
        %convert_element_type3A_73 = arith.extui %lt3A_72 : i1 to i32
        %cond3A_74 = arith.constant 0 : i32
        %cond3A_75 = arith.cmpi ne, %convert_element_type3A_73, %cond3A_74 : i32
        scf.if %cond3A_75 {
          %add3A_82 = arith.constant 1 : i32
          %add3A_83 = arith.addi %scan3A_61, %add3A_82 : i32
          %mul3A_84 = arith.constant 128 : i32
          %mul3A_85 = arith.muli %add3A_83, %mul3A_84 : i32
          %add3A_86 = arith.addi %mul3A_2, %mul3A_85 : i32
          "tpu.region"() ({
            %run_scoped3A = tpu.sem_alloc : memref<!tpu.dma_semaphore, #tpu.memory_space<semaphore_mem>>
            %dma_start3A_90 = tpu.memref_slice %arg5[%add3A_86] : memref<163840xi32, #tpu.memory_space<hbm>> -> memref<128xi32, #tpu.memory_space<hbm>>
            %dma_start3A_91 = tpu.memref_slice %arg5[%add3A_86] : memref<163840xi32, #tpu.memory_space<hbm>> -> memref<128xi32, #tpu.memory_space<hbm>>
            tpu.enqueue_dma source(%dma_start3A_91 : memref<128xi32, #tpu.memory_space<hbm>>) target(%arg10 : memref<128xi32, #tpu.memory_space<vmem>>) target_semaphore(%run_scoped3A : memref<!tpu.dma_semaphore, #tpu.memory_space<semaphore_mem>>)
            %dma_wait3A_92 = tpu.memref_slice %arg5[%add3A_86] : memref<163840xi32, #tpu.memory_space<hbm>> -> memref<128xi32, #tpu.memory_space<hbm>>
            %dma_wait3A_93 = tpu.memref_slice %arg5[%add3A_86] : memref<163840xi32, #tpu.memory_space<hbm>> -> memref<128xi32, #tpu.memory_space<hbm>>
            tpu.wait_dma2 semaphore(%run_scoped3A : memref<!tpu.dma_semaphore, #tpu.memory_space<semaphore_mem>>) src(%dma_wait3A_93 : memref<128xi32, #tpu.memory_space<hbm>>) dst(%arg10 : memref<128xi32, #tpu.memory_space<vmem>>)
            tpu.yield
          }) : () -> ()
          %dma_start3A_87 = arith.constant 0 : i32
          %dma_start3A_88 = arith.constant 0 : i32
          %dma_start3A_89 = tpu.memref_slice %arg2[%dma_start3A_87, %dma_start3A_88] : memref<10000x256xf32, #tpu.memory_space<hbm>> -> memref<10000x256xf32, #tpu.memory_space<hbm>>
          tpu.enqueue_indirect_dma source(%dma_start3A_89 : memref<10000x256xf32, #tpu.memory_space<hbm>>) target(%arg12 : memref<128x256xf32, #tpu.memory_space<vmem>>) offsets(%arg10 : memref<128xi32, #tpu.memory_space<vmem>>) semaphore(%arg16 : memref<!tpu.dma_semaphore, #tpu.memory_space<semaphore_mem>>)
        } else {
        }
        %dma_wait3A_76 = arith.constant 0 : i32
        %dma_wait3A_77 = arith.constant 0 : i32
        %dma_wait3A_78 = tpu.memref_slice %arg2[%dma_wait3A_76, %dma_wait3A_77] : memref<10000x256xf32, #tpu.memory_space<hbm>> -> memref<10000x256xf32, #tpu.memory_space<hbm>>
        tpu.wait_indirect_dma semaphore(%arg17 : memref<!tpu.dma_semaphore, #tpu.memory_space<semaphore_mem>>) src(%dma_wait3A_78 : memref<10000x256xf32, #tpu.memory_space<hbm>>) dst(%arg13 : memref<128x256xf32, #tpu.memory_space<vmem>>)
        %mul3A_79 = arith.constant 128 : i32
        %mul3A_80 = arith.muli %scan3A_61, %mul3A_79 : i32
        %add3A_81 = arith.addi %mul3A_2, %mul3A_80 : i32
        "tpu.region"() ({
          %run_scoped3A = tpu.sem_alloc : memref<!tpu.dma_semaphore, #tpu.memory_space<semaphore_mem>>
          %dma_start3A_82 = arith.constant 0 : i32
          %dma_start3A_83 = tpu.memref_slice %arg7[%add3A_81, %dma_start3A_82] : memref<163840x256xf32, #tpu.memory_space<hbm>> -> memref<128x256xf32, #tpu.memory_space<hbm>>
          %dma_start3A_84 = arith.constant 0 : i32
          %dma_start3A_85 = tpu.memref_slice %arg7[%add3A_81, %dma_start3A_84] : memref<163840x256xf32, #tpu.memory_space<hbm>> -> memref<128x256xf32, #tpu.memory_space<hbm>>
          tpu.enqueue_dma source(%arg13 : memref<128x256xf32, #tpu.memory_space<vmem>>) target(%dma_start3A_85 : memref<128x256xf32, #tpu.memory_space<hbm>>) target_semaphore(%run_scoped3A : memref<!tpu.dma_semaphore, #tpu.memory_space<semaphore_mem>>)
          %dma_wait3A_86 = arith.constant 0 : i32
          %dma_wait3A_87 = tpu.memref_slice %arg7[%add3A_81, %dma_wait3A_86] : memref<163840x256xf32, #tpu.memory_space<hbm>> -> memref<128x256xf32, #tpu.memory_space<hbm>>
          %dma_wait3A_88 = arith.constant 0 : i32
          %dma_wait3A_89 = tpu.memref_slice %arg7[%add3A_81, %dma_wait3A_88] : memref<163840x256xf32, #tpu.memory_space<hbm>> -> memref<128x256xf32, #tpu.memory_space<hbm>>
          tpu.wait_dma2 semaphore(%run_scoped3A : memref<!tpu.dma_semaphore, #tpu.memory_space<semaphore_mem>>) src(%arg13 : memref<128x256xf32, #tpu.memory_space<vmem>>) dst(%dma_wait3A_89 : memref<128x256xf32, #tpu.memory_space<hbm>>)
          tpu.yield
        }) : () -> ()
      } else {
      }
    }
    %scan3A_9 = arith.constant 40 : i32
    %mul3A_10 = arith.constant 160 : i32
    %mul3A_11 = arith.muli %add3A, %mul3A_10 : i32
    "tpu.region"() ({
      %run_scoped3A = tpu.sem_alloc : memref<!tpu.dma_semaphore, #tpu.memory_space<semaphore_mem>>
      %dma_start3A_61 = tpu.memref_slice %arg6[%mul3A_11] : memref<5120xi32, #tpu.memory_space<hbm>> -> memref<128xi32, #tpu.memory_space<hbm>>
      %dma_start3A_62 = tpu.memref_slice %arg6[%mul3A_11] : memref<5120xi32, #tpu.memory_space<hbm>> -> memref<128xi32, #tpu.memory_space<hbm>>
      tpu.enqueue_dma source(%dma_start3A_62 : memref<128xi32, #tpu.memory_space<hbm>>) target(%arg10 : memref<128xi32, #tpu.memory_space<vmem>>) target_semaphore(%run_scoped3A : memref<!tpu.dma_semaphore, #tpu.memory_space<semaphore_mem>>)
      %dma_wait3A_63 = tpu.memref_slice %arg6[%mul3A_11] : memref<5120xi32, #tpu.memory_space<hbm>> -> memref<128xi32, #tpu.memory_space<hbm>>
      %dma_wait3A_64 = tpu.memref_slice %arg6[%mul3A_11] : memref<5120xi32, #tpu.memory_space<hbm>> -> memref<128xi32, #tpu.memory_space<hbm>>
      tpu.wait_dma2 semaphore(%run_scoped3A : memref<!tpu.dma_semaphore, #tpu.memory_space<semaphore_mem>>) src(%dma_wait3A_64 : memref<128xi32, #tpu.memory_space<hbm>>) dst(%arg10 : memref<128xi32, #tpu.memory_space<vmem>>)
      tpu.yield
    }) : () -> ()
    %dma_start3A_12 = arith.constant 0 : i32
    %dma_start3A_13 = arith.constant 0 : i32
    %dma_start3A_14 = tpu.memref_slice %arg3[%dma_start3A_12, %dma_start3A_13] : memref<10000x128xf32, #tpu.memory_space<hbm>> -> memref<10000x128xf32, #tpu.memory_space<hbm>>
    tpu.enqueue_indirect_dma source(%dma_start3A_14 : memref<10000x128xf32, #tpu.memory_space<hbm>>) target(%arg14 : memref<128x128xf32, #tpu.memory_space<vmem>>) offsets(%arg10 : memref<128xi32, #tpu.memory_space<vmem>>) semaphore(%arg16 : memref<!tpu.dma_semaphore, #tpu.memory_space<semaphore_mem>>)
    %dma_wait3A = arith.constant 0 : i32
    %dma_wait3A_15 = arith.constant 0 : i32
    %dma_wait3A_16 = tpu.memref_slice %arg3[%dma_wait3A, %dma_wait3A_15] : memref<10000x128xf32, #tpu.memory_space<hbm>> -> memref<10000x128xf32, #tpu.memory_space<hbm>>
    tpu.wait_indirect_dma semaphore(%arg16 : memref<!tpu.dma_semaphore, #tpu.memory_space<semaphore_mem>>) src(%dma_wait3A_16 : memref<10000x128xf32, #tpu.memory_space<hbm>>) dst(%arg14 : memref<128x128xf32, #tpu.memory_space<vmem>>)
    "tpu.region"() ({
      %run_scoped3A = tpu.sem_alloc : memref<!tpu.dma_semaphore, #tpu.memory_space<semaphore_mem>>
      %dma_start3A_61 = arith.constant 0 : i32
      %dma_start3A_62 = tpu.memref_slice %arg8[%mul3A_11, %dma_start3A_61] : memref<5120x128xf32, #tpu.memory_space<hbm>> -> memref<128x128xf32, #tpu.memory_space<hbm>>
      %dma_start3A_63 = arith.constant 0 : i32
      %dma_start3A_64 = tpu.memref_slice %arg8[%mul3A_11, %dma_start3A_63] : memref<5120x128xf32, #tpu.memory_space<hbm>> -> memref<128x128xf32, #tpu.memory_space<hbm>>
      tpu.enqueue_dma source(%arg14 : memref<128x128xf32, #tpu.memory_space<vmem>>) target(%dma_start3A_64 : memref<128x128xf32, #tpu.memory_space<hbm>>) target_semaphore(%run_scoped3A : memref<!tpu.dma_semaphore, #tpu.memory_space<semaphore_mem>>)
      %dma_wait3A_65 = arith.constant 0 : i32
      %dma_wait3A_66 = tpu.memref_slice %arg8[%mul3A_11, %dma_wait3A_65] : memref<5120x128xf32, #tpu.memory_space<hbm>> -> memref<128x128xf32, #tpu.memory_space<hbm>>
      %dma_wait3A_67 = arith.constant 0 : i32
      %dma_wait3A_68 = tpu.memref_slice %arg8[%mul3A_11, %dma_wait3A_67] : memref<5120x128xf32, #tpu.memory_space<hbm>> -> memref<128x128xf32, #tpu.memory_space<hbm>>
      tpu.wait_dma2 semaphore(%run_scoped3A : memref<!tpu.dma_semaphore, #tpu.memory_space<semaphore_mem>>) src(%arg14 : memref<128x128xf32, #tpu.memory_space<vmem>>) dst(%dma_wait3A_68 : memref<128x128xf32, #tpu.memory_space<hbm>>)
      tpu.yield
    }) : () -> ()
    %dma_start3A_17 = arith.constant 0 : i32
    %dma_start3A_18 = arith.constant 0 : i32
    %dma_start3A_19 = tpu.memref_slice %arg4[%dma_start3A_17, %dma_start3A_18] : memref<10000x128xi32, #tpu.memory_space<hbm>> -> memref<10000x128xi32, #tpu.memory_space<hbm>>
    tpu.enqueue_indirect_dma source(%dma_start3A_19 : memref<10000x128xi32, #tpu.memory_space<hbm>>) target(%arg15 : memref<128x128xi32, #tpu.memory_space<vmem>>) offsets(%arg10 : memref<128xi32, #tpu.memory_space<vmem>>) semaphore(%arg16 : memref<!tpu.dma_semaphore, #tpu.memory_space<semaphore_mem>>)
    %dma_wait3A_20 = arith.constant 0 : i32
    %dma_wait3A_21 = arith.constant 0 : i32
    %dma_wait3A_22 = tpu.memref_slice %arg4[%dma_wait3A_20, %dma_wait3A_21] : memref<10000x128xi32, #tpu.memory_space<hbm>> -> memref<10000x128xi32, #tpu.memory_space<hbm>>
    tpu.wait_indirect_dma semaphore(%arg16 : memref<!tpu.dma_semaphore, #tpu.memory_space<semaphore_mem>>) src(%dma_wait3A_22 : memref<10000x128xi32, #tpu.memory_space<hbm>>) dst(%arg15 : memref<128x128xi32, #tpu.memory_space<vmem>>)
    "tpu.region"() ({
      %run_scoped3A = tpu.sem_alloc : memref<!tpu.dma_semaphore, #tpu.memory_space<semaphore_mem>>
      %dma_start3A_61 = arith.constant 0 : i32
      %dma_start3A_62 = tpu.memref_slice %arg9[%mul3A_11, %dma_start3A_61] : memref<5120x128xi32, #tpu.memory_space<hbm>> -> memref<128x128xi32, #tpu.memory_space<hbm>>
      %dma_start3A_63 = arith.constant 0 : i32
      %dma_start3A_64 = tpu.memref_slice %arg9[%mul3A_11, %dma_start3A_63] : memref<5120x128xi32, #tpu.memory_space<hbm>> -> memref<128x128xi32, #tpu.memory_space<hbm>>
      tpu.enqueue_dma source(%arg15 : memref<128x128xi32, #tpu.memory_space<vmem>>) target(%dma_start3A_64 : memref<128x128xi32, #tpu.memory_space<hbm>>) target_semaphore(%run_scoped3A : memref<!tpu.dma_semaphore, #tpu.memory_space<semaphore_mem>>)
      %dma_wait3A_65 = arith.constant 0 : i32
      %dma_wait3A_66 = tpu.memref_slice %arg9[%mul3A_11, %dma_wait3A_65] : memref<5120x128xi32, #tpu.memory_space<hbm>> -> memref<128x128xi32, #tpu.memory_space<hbm>>
      %dma_wait3A_67 = arith.constant 0 : i32
      %dma_wait3A_68 = tpu.memref_slice %arg9[%mul3A_11, %dma_wait3A_67] : memref<5120x128xi32, #tpu.memory_space<hbm>> -> memref<128x128xi32, #tpu.memory_space<hbm>>
      tpu.wait_dma2 semaphore(%run_scoped3A : memref<!tpu.dma_semaphore, #tpu.memory_space<semaphore_mem>>) src(%arg15 : memref<128x128xi32, #tpu.memory_space<vmem>>) dst(%dma_wait3A_68 : memref<128x128xi32, #tpu.memory_space<hbm>>)
      tpu.yield
    }) : () -> ()
    %add3A_23 = arith.constant 128 : i32
    %add3A_24 = arith.addi %mul3A_11, %add3A_23 : i32
    "tpu.region"() ({
      %run_scoped3A = tpu.sem_alloc : memref<!tpu.dma_semaphore, #tpu.memory_space<semaphore_mem>>
      %dma_start3A_61 = arith.constant 0 : i32
      %dma_start3A_62 = tpu.memref_slice %arg10[%dma_start3A_61] : memref<128xi32, #tpu.memory_space<vmem>> -> memref<32xi32, #tpu.memory_space<vmem>>
      %dma_start3A_63 = tpu.memref_slice %arg6[%add3A_24] : memref<5120xi32, #tpu.memory_space<hbm>> -> memref<32xi32, #tpu.memory_space<hbm>>
      %dma_start3A_64 = arith.constant 0 : i32
      %dma_start3A_65 = tpu.memref_slice %arg10[%dma_start3A_64] : memref<128xi32, #tpu.memory_space<vmem>> -> memref<32xi32, #tpu.memory_space<vmem>>
      %dma_start3A_66 = tpu.memref_slice %arg6[%add3A_24] : memref<5120xi32, #tpu.memory_space<hbm>> -> memref<32xi32, #tpu.memory_space<hbm>>
      tpu.enqueue_dma source(%dma_start3A_66 : memref<32xi32, #tpu.memory_space<hbm>>) target(%dma_start3A_65 : memref<32xi32, #tpu.memory_space<vmem>>) target_semaphore(%run_scoped3A : memref<!tpu.dma_semaphore, #tpu.memory_space<semaphore_mem>>)
      %dma_wait3A_67 = arith.constant 0 : i32
      %dma_wait3A_68 = tpu.memref_slice %arg10[%dma_wait3A_67] : memref<128xi32, #tpu.memory_space<vmem>> -> memref<32xi32, #tpu.memory_space<vmem>>
      %dma_wait3A_69 = tpu.memref_slice %arg6[%add3A_24] : memref<5120xi32, #tpu.memory_space<hbm>> -> memref<32xi32, #tpu.memory_space<hbm>>
      %dma_wait3A_70 = arith.constant 0 : i32
      %dma_wait3A_71 = tpu.memref_slice %arg10[%dma_wait3A_70] : memref<128xi32, #tpu.memory_space<vmem>> -> memref<32xi32, #tpu.memory_space<vmem>>
      %dma_wait3A_72 = tpu.memref_slice %arg6[%add3A_24] : memref<5120xi32, #tpu.memory_space<hbm>> -> memref<32xi32, #tpu.memory_space<hbm>>
      tpu.wait_dma2 semaphore(%run_scoped3A : memref<!tpu.dma_semaphore, #tpu.memory_space<semaphore_mem>>) src(%dma_wait3A_72 : memref<32xi32, #tpu.memory_space<hbm>>) dst(%dma_wait3A_71 : memref<32xi32, #tpu.memory_space<vmem>>)
      tpu.yield
    }) : () -> ()
    %dma_start3A_25 = arith.constant 0 : i32
    %dma_start3A_26 = arith.constant 0 : i32
    %dma_start3A_27 = tpu.memref_slice %arg14[%dma_start3A_25, %dma_start3A_26] : memref<128x128xf32, #tpu.memory_space<vmem>> -> memref<32x128xf32, #tpu.memory_space<vmem>>
    %dma_start3A_28 = arith.constant 0 : i32
    %dma_start3A_29 = tpu.memref_slice %arg10[%dma_start3A_28] : memref<128xi32, #tpu.memory_space<vmem>> -> memref<32xi32, #tpu.memory_space<vmem>>
    %dma_start3A_30 = arith.constant 0 : i32
    %dma_start3A_31 = arith.constant 0 : i32
    %dma_start3A_32 = tpu.memref_slice %arg3[%dma_start3A_30, %dma_start3A_31] : memref<10000x128xf32, #tpu.memory_space<hbm>> -> memref<10000x128xf32, #tpu.memory_space<hbm>>
    tpu.enqueue_indirect_dma source(%dma_start3A_32 : memref<10000x128xf32, #tpu.memory_space<hbm>>) target(%dma_start3A_27 : memref<32x128xf32, #tpu.memory_space<vmem>>) offsets(%dma_start3A_29 : memref<32xi32, #tpu.memory_space<vmem>>) semaphore(%arg16 : memref<!tpu.dma_semaphore, #tpu.memory_space<semaphore_mem>>)
    %dma_wait3A_33 = arith.constant 0 : i32
    %dma_wait3A_34 = arith.constant 0 : i32
    %dma_wait3A_35 = tpu.memref_slice %arg14[%dma_wait3A_33, %dma_wait3A_34] : memref<128x128xf32, #tpu.memory_space<vmem>> -> memref<32x128xf32, #tpu.memory_space<vmem>>
    %dma_wait3A_36 = arith.constant 0 : i32
    %dma_wait3A_37 = tpu.memref_slice %arg10[%dma_wait3A_36] : memref<128xi32, #tpu.memory_space<vmem>> -> memref<32xi32, #tpu.memory_space<vmem>>
    %dma_wait3A_38 = arith.constant 0 : i32
    %dma_wait3A_39 = arith.constant 0 : i32
    %dma_wait3A_40 = tpu.memref_slice %arg3[%dma_wait3A_38, %dma_wait3A_39] : memref<10000x128xf32, #tpu.memory_space<hbm>> -> memref<10000x128xf32, #tpu.memory_space<hbm>>
    tpu.wait_indirect_dma semaphore(%arg16 : memref<!tpu.dma_semaphore, #tpu.memory_space<semaphore_mem>>) src(%dma_wait3A_40 : memref<10000x128xf32, #tpu.memory_space<hbm>>) dst(%dma_wait3A_35 : memref<32x128xf32, #tpu.memory_space<vmem>>)
    %add3A_41 = arith.constant 128 : i32
    %add3A_42 = arith.addi %mul3A_11, %add3A_41 : i32
    "tpu.region"() ({
      %run_scoped3A = tpu.sem_alloc : memref<!tpu.dma_semaphore, #tpu.memory_space<semaphore_mem>>
      %dma_start3A_61 = arith.constant 0 : i32
      %dma_start3A_62 = arith.constant 0 : i32
      %dma_start3A_63 = tpu.memref_slice %arg14[%dma_start3A_61, %dma_start3A_62] : memref<128x128xf32, #tpu.memory_space<vmem>> -> memref<32x128xf32, #tpu.memory_space<vmem>>
      %dma_start3A_64 = arith.constant 0 : i32
      %dma_start3A_65 = tpu.memref_slice %arg8[%add3A_42, %dma_start3A_64] : memref<5120x128xf32, #tpu.memory_space<hbm>> -> memref<32x128xf32, #tpu.memory_space<hbm>>
      %dma_start3A_66 = arith.constant 0 : i32
      %dma_start3A_67 = tpu.memref_slice %arg8[%add3A_42, %dma_start3A_66] : memref<5120x128xf32, #tpu.memory_space<hbm>> -> memref<32x128xf32, #tpu.memory_space<hbm>>
      %dma_start3A_68 = arith.constant 0 : i32
      %dma_start3A_69 = arith.constant 0 : i32
      %dma_start3A_70 = tpu.memref_slice %arg14[%dma_start3A_68, %dma_start3A_69] : memref<128x128xf32, #tpu.memory_space<vmem>> -> memref<32x128xf32, #tpu.memory_space<vmem>>
      tpu.enqueue_dma source(%dma_start3A_70 : memref<32x128xf32, #tpu.memory_space<vmem>>) target(%dma_start3A_67 : memref<32x128xf32, #tpu.memory_space<hbm>>) target_semaphore(%run_scoped3A : memref<!tpu.dma_semaphore, #tpu.memory_space<semaphore_mem>>)
      %dma_wait3A_71 = arith.constant 0 : i32
      %dma_wait3A_72 = arith.constant 0 : i32
      %dma_wait3A_73 = tpu.memref_slice %arg14[%dma_wait3A_71, %dma_wait3A_72] : memref<128x128xf32, #tpu.memory_space<vmem>> -> memref<32x128xf32, #tpu.memory_space<vmem>>
      %dma_wait3A_74 = arith.constant 0 : i32
      %dma_wait3A_75 = tpu.memref_slice %arg8[%add3A_42, %dma_wait3A_74] : memref<5120x128xf32, #tpu.memory_space<hbm>> -> memref<32x128xf32, #tpu.memory_space<hbm>>
      %dma_wait3A_76 = arith.constant 0 : i32
      %dma_wait3A_77 = tpu.memref_slice %arg8[%add3A_42, %dma_wait3A_76] : memref<5120x128xf32, #tpu.memory_space<hbm>> -> memref<32x128xf32, #tpu.memory_space<hbm>>
      %dma_wait3A_78 = arith.constant 0 : i32
      %dma_wait3A_79 = arith.constant 0 : i32
      %dma_wait3A_80 = tpu.memref_slice %arg14[%dma_wait3A_78, %dma_wait3A_79] : memref<128x128xf32, #tpu.memory_space<vmem>> -> memref<32x128xf32, #tpu.memory_space<vmem>>
      tpu.wait_dma2 semaphore(%run_scoped3A : memref<!tpu.dma_semaphore, #tpu.memory_space<semaphore_mem>>) src(%dma_wait3A_80 : memref<32x128xf32, #tpu.memory_space<vmem>>) dst(%dma_wait3A_77 : memref<32x128xf32, #tpu.memory_space<hbm>>)
      tpu.yield
    }) : () -> ()
    %dma_start3A_43 = arith.constant 0 : i32
    %dma_start3A_44 = arith.constant 0 : i32
    %dma_start3A_45 = tpu.memref_slice %arg15[%dma_start3A_43, %dma_start3A_44] : memref<128x128xi32, #tpu.memory_space<vmem>> -> memref<32x128xi32, #tpu.memory_space<vmem>>
    %dma_start3A_46 = arith.constant 0 : i32
    %dma_start3A_47 = tpu.memref_slice %arg10[%dma_start3A_46] : memref<128xi32, #tpu.memory_space<vmem>> -> memref<32xi32, #tpu.memory_space<vmem>>
    %dma_start3A_48 = arith.constant 0 : i32
    %dma_start3A_49 = arith.constant 0 : i32
    %dma_start3A_50 = tpu.memref_slice %arg4[%dma_start3A_48, %dma_start3A_49] : memref<10000x128xi32, #tpu.memory_space<hbm>> -> memref<10000x128xi32, #tpu.memory_space<hbm>>
    tpu.enqueue_indirect_dma source(%dma_start3A_50 : memref<10000x128xi32, #tpu.memory_space<hbm>>) target(%dma_start3A_45 : memref<32x128xi32, #tpu.memory_space<vmem>>) offsets(%dma_start3A_47 : memref<32xi32, #tpu.memory_space<vmem>>) semaphore(%arg16 : memref<!tpu.dma_semaphore, #tpu.memory_space<semaphore_mem>>)
    %dma_wait3A_51 = arith.constant 0 : i32
    %dma_wait3A_52 = arith.constant 0 : i32
    %dma_wait3A_53 = tpu.memref_slice %arg15[%dma_wait3A_51, %dma_wait3A_52] : memref<128x128xi32, #tpu.memory_space<vmem>> -> memref<32x128xi32, #tpu.memory_space<vmem>>
    %dma_wait3A_54 = arith.constant 0 : i32
    %dma_wait3A_55 = tpu.memref_slice %arg10[%dma_wait3A_54] : memref<128xi32, #tpu.memory_space<vmem>> -> memref<32xi32, #tpu.memory_space<vmem>>
    %dma_wait3A_56 = arith.constant 0 : i32
    %dma_wait3A_57 = arith.constant 0 : i32
    %dma_wait3A_58 = tpu.memref_slice %arg4[%dma_wait3A_56, %dma_wait3A_57] : memref<10000x128xi32, #tpu.memory_space<hbm>> -> memref<10000x128xi32, #tpu.memory_space<hbm>>
    tpu.wait_indirect_dma semaphore(%arg16 : memref<!tpu.dma_semaphore, #tpu.memory_space<semaphore_mem>>) src(%dma_wait3A_58 : memref<10000x128xi32, #tpu.memory_space<hbm>>) dst(%dma_wait3A_53 : memref<32x128xi32, #tpu.memory_space<vmem>>)
    %add3A_59 = arith.constant 128 : i32
    %add3A_60 = arith.addi %mul3A_11, %add3A_59 : i32
    "tpu.region"() ({
      %run_scoped3A = tpu.sem_alloc : memref<!tpu.dma_semaphore, #tpu.memory_space<semaphore_mem>>
      %dma_start3A_61 = arith.constant 0 : i32
      %dma_start3A_62 = arith.constant 0 : i32
      %dma_start3A_63 = tpu.memref_slice %arg15[%dma_start3A_61, %dma_start3A_62] : memref<128x128xi32, #tpu.memory_space<vmem>> -> memref<32x128xi32, #tpu.memory_space<vmem>>
      %dma_start3A_64 = arith.constant 0 : i32
      %dma_start3A_65 = tpu.memref_slice %arg9[%add3A_60, %dma_start3A_64] : memref<5120x128xi32, #tpu.memory_space<hbm>> -> memref<32x128xi32, #tpu.memory_space<hbm>>
      %dma_start3A_66 = arith.constant 0 : i32
      %dma_start3A_67 = tpu.memref_slice %arg9[%add3A_60, %dma_start3A_66] : memref<5120x128xi32, #tpu.memory_space<hbm>> -> memref<32x128xi32, #tpu.memory_space<hbm>>
      %dma_start3A_68 = arith.constant 0 : i32
      %dma_start3A_69 = arith.constant 0 : i32
      %dma_start3A_70 = tpu.memref_slice %arg15[%dma_start3A_68, %dma_start3A_69] : memref<128x128xi32, #tpu.memory_space<vmem>> -> memref<32x128xi32, #tpu.memory_space<vmem>>
      tpu.enqueue_dma source(%dma_start3A_70 : memref<32x128xi32, #tpu.memory_space<vmem>>) target(%dma_start3A_67 : memref<32x128xi32, #tpu.memory_space<hbm>>) target_semaphore(%run_scoped3A : memref<!tpu.dma_semaphore, #tpu.memory_space<semaphore_mem>>)
      %dma_wait3A_71 = arith.constant 0 : i32
      %dma_wait3A_72 = arith.constant 0 : i32
      %dma_wait3A_73 = tpu.memref_slice %arg15[%dma_wait3A_71, %dma_wait3A_72] : memref<128x128xi32, #tpu.memory_space<vmem>> -> memref<32x128xi32, #tpu.memory_space<vmem>>
      %dma_wait3A_74 = arith.constant 0 : i32
      %dma_wait3A_75 = tpu.memref_slice %arg9[%add3A_60, %dma_wait3A_74] : memref<5120x128xi32, #tpu.memory_space<hbm>> -> memref<32x128xi32, #tpu.memory_space<hbm>>
      %dma_wait3A_76 = arith.constant 0 : i32
      %dma_wait3A_77 = tpu.memref_slice %arg9[%add3A_60, %dma_wait3A_76] : memref<5120x128xi32, #tpu.memory_space<hbm>> -> memref<32x128xi32, #tpu.memory_space<hbm>>
      %dma_wait3A_78 = arith.constant 0 : i32
      %dma_wait3A_79 = arith.constant 0 : i32
      %dma_wait3A_80 = tpu.memref_slice %arg15[%dma_wait3A_78, %dma_wait3A_79] : memref<128x128xi32, #tpu.memory_space<vmem>> -> memref<32x128xi32, #tpu.memory_space<vmem>>
      tpu.wait_dma2 semaphore(%run_scoped3A : memref<!tpu.dma_semaphore, #tpu.memory_space<semaphore_mem>>) src(%dma_wait3A_80 : memref<32x128xi32, #tpu.memory_space<vmem>>) dst(%dma_wait3A_77 : memref<32x128xi32, #tpu.memory_space<hbm>>)
      tpu.yield
    }) : () -> ()
    return
  }
}

module attributes {stable_mosaic.version = 14 : i64} {
  func.func @_fps_body(%arg0: memref<10000x3xf32, #tpu.memory_space<vmem>>, %arg1: memref<8x1280xf32, #tpu.memory_space<vmem>>, %arg2: memref<8x1280xf32, #tpu.memory_space<vmem>>, %arg3: memref<8x1280xf32, #tpu.memory_space<vmem>>, %arg4: memref<5000x1xi32, #tpu.memory_space<vmem>>, %arg5: memref<5000x3xf32, #tpu.memory_space<vmem>>) attributes {dimension_semantics = [], scalar_prefetch = 0 : i64, scratch_operands = 0 : i64, tpu.core_type = #tpu.core_type<tc>} {
    %iota3A = tpu.iota {dimensions = array<i32: 0>} : vector<8x1280xi32>
    %iota3A_0 = tpu.iota {dimensions = array<i32: 1>} : vector<8x1280xi32>
    %mul3A = arith.constant 1280 : i32
    %mul3A_1 = vector.broadcast %mul3A : i32 to vector<8x1280xi32>
    %mul3A_2 = arith.muli %iota3A, %mul3A_1 : vector<8x1280xi32>
    %add3A = arith.addi %mul3A_2, %iota3A_0 : vector<8x1280xi32>
    %lt3A = arith.constant 10000 : i32
    %lt3A_3 = vector.broadcast %lt3A : i32 to vector<8x1280xi32>
    %lt3A_4 = arith.cmpi slt, %add3A, %lt3A_3 : vector<8x1280xi32>
    %jit3A = arith.constant 0x7F800000 : f32
    %jit3A_5 = arith.constant 0xFF800000 : f32
    %broadcast_in_dim3A = vector.broadcast %jit3A : f32 to vector<8x1280xf32>
    %broadcast_in_dim3A_6 = vector.broadcast %jit3A_5 : f32 to vector<8x1280xf32>
    %select_n3A = arith.select %lt3A_4, %broadcast_in_dim3A, %broadcast_in_dim3A_6 : vector<8x1280xi1>, vector<8x1280xf32>
    %broadcast_in_dim3A_7 = arith.constant 0 : i32
    %broadcast_in_dim3A_8 = vector.broadcast %broadcast_in_dim3A_7 : i32 to vector<1x1xi32>
    %swap3A = arith.constant 0 : index
    %swap3A_9 = arith.constant 0 : index
    %swap3A_10 = vector.load %arg4[%swap3A, %swap3A_9] : memref<5000x1xi32, #tpu.memory_space<vmem>>, vector<1x1xi32>
    tpu.vector_store %arg4[%swap3A, %swap3A_9], %broadcast_in_dim3A_8 {strides = array<i32>} : memref<5000x1xi32, #tpu.memory_space<vmem>>, vector<1x1xi32>,
    %get3A = arith.constant 0 : index
    %get3A_11 = arith.constant 0 : index
    %get3A_12 = vector.load %arg0[%get3A, %get3A_11] : memref<10000x3xf32, #tpu.memory_space<vmem>>, vector<1x3xf32>
    %swap3A_13 = arith.constant 0 : index
    %swap3A_14 = arith.constant 0 : index
    %swap3A_15 = vector.load %arg5[%swap3A_13, %swap3A_14] : memref<5000x3xf32, #tpu.memory_space<vmem>>, vector<1x3xf32>
    tpu.vector_store %arg5[%swap3A_13, %swap3A_14], %get3A_12 {strides = array<i32>} : memref<5000x3xf32, #tpu.memory_space<vmem>>, vector<1x3xf32>,
    %scan3A = arith.constant 10000 : i32
    %scan3A_16 = arith.constant 0 : i32
    %scan3A_17 = arith.constant 1 : i32
    %scan3A_18 = arith.constant 4999 : i32
    %scan3A_19 = arith.addi %scan3A_17, %scan3A_18 : i32
    %scan3A_20 = arith.constant 1 : i32
    %scan3A_21:2 = scf.for %scan3A_23 = %scan3A_17 to %scan3A_19 step %scan3A_20 iter_args(%scan3A_24 = %select_n3A, %scan3A_25 = %scan3A_16) -> (vector<8x1280xf32>, i32)  : i32 {
      %get3A_26 = arith.index_cast %scan3A_25 : i32 to index
      %get3A_27 = arith.constant 0 : index
      %get3A_28 = vector.load %arg0[%get3A_26, %get3A_27] : memref<10000x3xf32, #tpu.memory_space<vmem>>, vector<1x3xf32>
      %slice3A = vector.extract_strided_slice %get3A_28 {offsets = [0, 0], sizes = [1, 1], strides = [1, 1]} : vector<1x3xf32> to vector<1x1xf32>
      %broadcast_in_dim3A_29 = vector.shape_cast %slice3A : vector<1x1xf32> to vector<1x1xf32>
      %broadcast_in_dim3A_30 = vector.broadcast %broadcast_in_dim3A_29 : vector<1x1xf32> to vector<8x1280xf32>
      %slice3A_31 = vector.extract_strided_slice %get3A_28 {offsets = [0, 1], sizes = [1, 1], strides = [1, 1]} : vector<1x3xf32> to vector<1x1xf32>
      %broadcast_in_dim3A_32 = vector.shape_cast %slice3A_31 : vector<1x1xf32> to vector<1x1xf32>
      %broadcast_in_dim3A_33 = vector.broadcast %broadcast_in_dim3A_32 : vector<1x1xf32> to vector<8x1280xf32>
      %slice3A_34 = vector.extract_strided_slice %get3A_28 {offsets = [0, 2], sizes = [1, 1], strides = [1, 1]} : vector<1x3xf32> to vector<1x1xf32>
      %broadcast_in_dim3A_35 = vector.shape_cast %slice3A_34 : vector<1x1xf32> to vector<1x1xf32>
      %broadcast_in_dim3A_36 = vector.broadcast %broadcast_in_dim3A_35 : vector<1x1xf32> to vector<8x1280xf32>
      %get3A_37 = arith.constant 0 : index
      %get3A_38 = arith.constant 0 : index
      %get3A_39 = vector.load %arg1[%get3A_37, %get3A_38] : memref<8x1280xf32, #tpu.memory_space<vmem>>, vector<8x1280xf32>
      %sub3A = arith.subf %get3A_39, %broadcast_in_dim3A_30 : vector<8x1280xf32>
      %get3A_40 = arith.constant 0 : index
      %get3A_41 = arith.constant 0 : index
      %get3A_42 = vector.load %arg2[%get3A_40, %get3A_41] : memref<8x1280xf32, #tpu.memory_space<vmem>>, vector<8x1280xf32>
      %sub3A_43 = arith.subf %get3A_42, %broadcast_in_dim3A_33 : vector<8x1280xf32>
      %get3A_44 = arith.constant 0 : index
      %get3A_45 = arith.constant 0 : index
      %get3A_46 = vector.load %arg3[%get3A_44, %get3A_45] : memref<8x1280xf32, #tpu.memory_space<vmem>>, vector<8x1280xf32>
      %sub3A_47 = arith.subf %get3A_46, %broadcast_in_dim3A_36 : vector<8x1280xf32>
      %mul3A_48 = arith.mulf %sub3A, %sub3A : vector<8x1280xf32>
      %mul3A_49 = arith.mulf %sub3A_43, %sub3A_43 : vector<8x1280xf32>
      %add3A_50 = arith.addf %mul3A_48, %mul3A_49 : vector<8x1280xf32>
      %mul3A_51 = arith.mulf %sub3A_47, %sub3A_47 : vector<8x1280xf32>
      %add3A_52 = arith.addf %add3A_50, %mul3A_51 : vector<8x1280xf32>
      %min3A = arith.minimumf %scan3A_24, %add3A_52 : vector<8x1280xf32>
      %reduce_max3A = vector.shape_cast %min3A : vector<8x1280xf32> to vector<1x8x1280xf32>
      %reduce_max3A_53 = arith.constant dense<0xFF800000> : vector<1xf32>
      %reduce_max3A_54 = vector.multi_reduction <maximumf>, %reduce_max3A, %reduce_max3A_53 [1, 2] : vector<1x8x1280xf32> to vector<1xf32>
      %reduce_max3A_55 = vector.shape_cast %reduce_max3A_54 : vector<1xf32> to vector<1x1x1xf32>
      %reduce_max3A_56 = vector.extract %reduce_max3A_55[0, 0, 0] : f32 from vector<1x1x1xf32>
      %eq3A = vector.broadcast %reduce_max3A_56 : f32 to vector<8x1280xf32>
      %eq3A_57 = arith.cmpf oeq, %min3A, %eq3A : vector<8x1280xf32>
      %broadcast_in_dim3A_58 = vector.broadcast %scan3A : i32 to vector<8x1280xi32>
      %select_n3A_59 = arith.select %eq3A_57, %add3A, %broadcast_in_dim3A_58 : vector<8x1280xi1>, vector<8x1280xi32>
      %reduce_min3A = vector.shape_cast %select_n3A_59 : vector<8x1280xi32> to vector<1x8x1280xi32>
      %reduce_min3A_60 = arith.constant dense<2147483647> : vector<1xi32>
      %reduce_min3A_61 = vector.multi_reduction <minsi>, %reduce_min3A, %reduce_min3A_60 [1, 2] : vector<1x8x1280xi32> to vector<1xi32>
      %reduce_min3A_62 = vector.shape_cast %reduce_min3A_61 : vector<1xi32> to vector<1x1x1xi32>
      %reduce_min3A_63 = vector.extract %reduce_min3A_62[0, 0, 0] : i32 from vector<1x1x1xi32>
      %broadcast_in_dim3A_64 = arith.constant 0 : i32
      %broadcast_in_dim3A_65 = vector.broadcast %broadcast_in_dim3A_64 : i32 to vector<1x1xi32>
      %add3A_66 = vector.broadcast %reduce_min3A_63 : i32 to vector<1x1xi32>
      %add3A_67 = arith.addi %broadcast_in_dim3A_65, %add3A_66 : vector<1x1xi32>
      %swap3A_68 = arith.index_cast %scan3A_23 : i32 to index
      %swap3A_69 = arith.constant 0 : index
      %swap3A_70 = vector.load %arg4[%swap3A_68, %swap3A_69] : memref<5000x1xi32, #tpu.memory_space<vmem>>, vector<1x1xi32>
      tpu.vector_store %arg4[%swap3A_68, %swap3A_69], %add3A_67 {strides = array<i32>} : memref<5000x1xi32, #tpu.memory_space<vmem>>, vector<1x1xi32>,
      %get3A_71 = arith.index_cast %reduce_min3A_63 : i32 to index
      %get3A_72 = arith.constant 0 : index
      %get3A_73 = vector.load %arg0[%get3A_71, %get3A_72] : memref<10000x3xf32, #tpu.memory_space<vmem>>, vector<1x3xf32>
      %swap3A_74 = arith.index_cast %scan3A_23 : i32 to index
      %swap3A_75 = arith.constant 0 : index
      %swap3A_76 = vector.load %arg5[%swap3A_74, %swap3A_75] : memref<5000x3xf32, #tpu.memory_space<vmem>>, vector<1x3xf32>
      tpu.vector_store %arg5[%swap3A_74, %swap3A_75], %get3A_73 {strides = array<i32>} : memref<5000x3xf32, #tpu.memory_space<vmem>>, vector<1x3xf32>,
      scf.yield %min3A, %reduce_min3A_63 : vector<8x1280xf32>, i32
    }
    %scan3A_22 = arith.constant 4999 : i32
    return
  }
}

module attributes {stable_mosaic.version = 14 : i64} {
  func.func @_keys_body(%arg0: i32, %arg1: i32, %arg2: memref<256x3xf32, #tpu.memory_space<vmem>>, %arg3: memref<3x2560xf32, #tpu.memory_space<vmem>>, %arg4: memref<1x2560xf32, #tpu.memory_space<vmem>>, %arg5: memref<256x2560xi32, #tpu.memory_space<vmem>>) attributes {dimension_semantics = [#tpu.dimension_semantics<arbitrary>, #tpu.dimension_semantics<arbitrary>], iteration_bounds = array<i64: 20, 4>, scalar_prefetch = 0 : i64, scratch_operands = 0 : i64, tpu.core_type = #tpu.core_type<tc>, window_params = [{transform_indices = @transform_0, window_bounds = array<i64: 256, 3>}, {transform_indices = @transform_1, window_bounds = array<i64: 3, 2560>}, {transform_indices = @transform_2, window_bounds = array<i64: 1, 2560>}, {transform_indices = @transform_3, window_bounds = array<i64: 256, 2560>}]} {
    %get3A = arith.constant 0 : index
    %get3A_0 = arith.constant 0 : index
    %get3A_1 = vector.load %arg2[%get3A, %get3A_0] : memref<256x3xf32, #tpu.memory_space<vmem>>, vector<256x3xf32>
    %get3A_2 = arith.constant 0 : index
    %get3A_3 = arith.constant 0 : index
    %get3A_4 = vector.load %arg3[%get3A_2, %get3A_3] : memref<3x2560xf32, #tpu.memory_space<vmem>>, vector<3x2560xf32>
    %get3A_5 = arith.constant 0 : index
    %get3A_6 = arith.constant 0 : index
    %get3A_7 = vector.load %arg4[%get3A_5, %get3A_6] : memref<1x2560xf32, #tpu.memory_space<vmem>>, vector<1x2560xf32>
    %mul3A = arith.mulf %get3A_1, %get3A_1 : vector<256x3xf32>
    %reduce_sum3A = arith.constant dense<0.000000e+00> : vector<256xf32>
    %reduce_sum3A_8 = vector.multi_reduction <add>, %mul3A, %reduce_sum3A [1] : vector<256x3xf32> to vector<256xf32>
    %broadcast_in_dim3A = vector.shape_cast %reduce_sum3A_8 : vector<256xf32> to vector<256x1xf32>
    %dot_general3A = arith.constant dense<0.000000e+00> : vector<256x2560xf32>
    %dot_general3A_9 = tpu.matmul %get3A_1, %get3A_4, %dot_general3A {dimension_numbers = #tpu.dot_dimension_numbers<[1], [0], [0], [1], [0, 0, 1, 1], [], []>, transpose_lhs_hint = false} : vector<256x3xf32>, vector<3x2560xf32>, vector<256x2560xf32> -> vector<256x2560xf32>
    %add3A = vector.broadcast %broadcast_in_dim3A : vector<256x1xf32> to vector<256x2560xf32>
    %add3A_10 = vector.broadcast %get3A_7 : vector<1x2560xf32> to vector<256x2560xf32>
    %add3A_11 = arith.addf %add3A, %add3A_10 : vector<256x2560xf32>
    %mul3A_12 = arith.constant 2.000000e+00 : f32
    %mul3A_13 = vector.broadcast %mul3A_12 : f32 to vector<256x2560xf32>
    %mul3A_14 = arith.mulf %mul3A_13, %dot_general3A_9 : vector<256x2560xf32>
    %sub3A = arith.subf %add3A_11, %mul3A_14 : vector<256x2560xf32>
    %mul3A_15 = arith.constant 0x4A47FF9C : f32
    %mul3A_16 = vector.broadcast %mul3A_15 : f32 to vector<256x2560xf32>
    %mul3A_17 = arith.mulf %sub3A, %mul3A_16 : vector<256x2560xf32>
    %convert_element_type3A = arith.fptosi %mul3A_17 : vector<256x2560xf32> to vector<256x2560xi32>
    %max3A = arith.constant 0 : i32
    %max3A_18 = vector.broadcast %max3A : i32 to vector<256x2560xi32>
    %max3A_19 = arith.maxsi %max3A_18, %convert_element_type3A : vector<256x2560xi32>
    %iota3A = tpu.iota {dimensions = array<i32: 1>} : vector<256x2560xi32>
    %mul3A_20 = arith.constant 2560 : i32
    %mul3A_21 = arith.muli %arg1, %mul3A_20 : i32
    %le3A = arith.constant 4.000000e-02 : f32
    %le3A_22 = vector.broadcast %le3A : f32 to vector<256x2560xf32>
    %le3A_23 = arith.cmpf ole, %sub3A, %le3A_22 : vector<256x2560xf32>
    %shift_left3A = arith.constant 14 : i32
    %shift_left3A_24 = vector.broadcast %shift_left3A : i32 to vector<256x2560xi32>
    %shift_left3A_25 = arith.shli %max3A_19, %shift_left3A_24 : vector<256x2560xi32>
    %add3A_26 = vector.broadcast %mul3A_21 : i32 to vector<256x2560xi32>
    %add3A_27 = arith.addi %iota3A, %add3A_26 : vector<256x2560xi32>
    %or3A = arith.ori %shift_left3A_25, %add3A_27 : vector<256x2560xi32>
    %jit3A = arith.constant 2147483647 : i32
    %broadcast_in_dim3A_28 = vector.broadcast %jit3A : i32 to vector<256x2560xi32>
    %select_n3A = arith.select %le3A_23, %or3A, %broadcast_in_dim3A_28 : vector<256x2560xi1>, vector<256x2560xi32>
    %swap3A = arith.constant 0 : index
    %swap3A_29 = arith.constant 0 : index
    %swap3A_30 = vector.load %arg5[%swap3A, %swap3A_29] : memref<256x2560xi32, #tpu.memory_space<vmem>>, vector<256x2560xi32>
    tpu.vector_store %arg5[%swap3A, %swap3A_29], %select_n3A {strides = array<i32>} : memref<256x2560xi32, #tpu.memory_space<vmem>>, vector<256x2560xi32>,
    return
  }
  func.func @transform_0(%arg0: i32, %arg1: i32) -> (i32, i32) {
    %c0_i32 = arith.constant 0 : i32
    %c0_i32_0 = arith.constant 0 : i32
    return %arg0, %c0_i32 : i32, i32
  }
  func.func @transform_1(%arg0: i32, %arg1: i32) -> (i32, i32) {
    %c0_i32 = arith.constant 0 : i32
    %c0_i32_0 = arith.constant 0 : i32
    return %c0_i32, %arg1 : i32, i32
  }
  func.func @transform_2(%arg0: i32, %arg1: i32) -> (i32, i32) {
    %c0_i32 = arith.constant 0 : i32
    %c0_i32_0 = arith.constant 0 : i32
    return %c0_i32, %arg1 : i32, i32
  }
  func.func @transform_3(%arg0: i32, %arg1: i32) -> (i32, i32) {
    %c0_i32 = arith.constant 0 : i32
    return %arg0, %arg1 : i32, i32
  }
}

module attributes {stable_mosaic.version = 14 : i64} {
  func.func @_table_body(%arg0: i32, %arg1: memref<1000x128xf32, #tpu.memory_space<vmem>>, %arg2: memref<1000x3xf32, #tpu.memory_space<vmem>>, %arg3: memref<128x128xf32, #tpu.memory_space<vmem>>, %arg4: memref<1x128xf32, #tpu.memory_space<vmem>>, %arg5: memref<1000x256xf32, #tpu.memory_space<vmem>>) attributes {dimension_semantics = [#tpu.dimension_semantics<arbitrary>], iteration_bounds = array<i64: 10>, scalar_prefetch = 0 : i64, scratch_operands = 0 : i64, tpu.core_type = #tpu.core_type<tc>, window_params = [{transform_indices = @transform_0, window_bounds = array<i64: 1000, 128>}, {transform_indices = @transform_1, window_bounds = array<i64: 1000, 3>}, {pipeline_mode = #tpu.pipeline_mode<synchronous>, transform_indices = @transform_2, window_bounds = array<i64: 128, 128>}, {pipeline_mode = #tpu.pipeline_mode<synchronous>, transform_indices = @transform_3, window_bounds = array<i64: 1, 128>}, {transform_indices = @transform_4, window_bounds = array<i64: 1000, 256>}]} {
    %get3A = arith.constant 0 : index
    %get3A_0 = arith.constant 0 : index
    %get3A_1 = vector.load %arg1[%get3A, %get3A_0] : memref<1000x128xf32, #tpu.memory_space<vmem>>, vector<1000x128xf32>
    %get3A_2 = arith.constant 0 : index
    %get3A_3 = arith.constant 0 : index
    %get3A_4 = vector.load %arg3[%get3A_2, %get3A_3] : memref<128x128xf32, #tpu.memory_space<vmem>>, vector<128x128xf32>
    %dot_general3A = arith.constant dense<0.000000e+00> : vector<1000x128xf32>
    %dot_general3A_5 = tpu.matmul %get3A_1, %get3A_4, %dot_general3A {dimension_numbers = #tpu.dot_dimension_numbers<[1], [0], [0], [1], [0, 0, 1, 1], [], []>, transpose_lhs_hint = false} : vector<1000x128xf32>, vector<128x128xf32>, vector<1000x128xf32> -> vector<1000x128xf32>
    %get3A_6 = arith.constant 0 : index
    %get3A_7 = arith.constant 0 : index
    %get3A_8 = vector.load %arg4[%get3A_6, %get3A_7] : memref<1x128xf32, #tpu.memory_space<vmem>>, vector<1x128xf32>
    %add3A = vector.broadcast %get3A_8 : vector<1x128xf32> to vector<1000x128xf32>
    %add3A_9 = arith.addf %dot_general3A_5, %add3A : vector<1000x128xf32>
    %swap3A = arith.constant 0 : index
    %swap3A_10 = arith.constant 0 : index
    %swap3A_11 = vector.load %arg5[%swap3A, %swap3A_10] : memref<1000x256xf32, #tpu.memory_space<vmem>>, vector<1000x128xf32>
    tpu.vector_store %arg5[%swap3A, %swap3A_10], %add3A_9 {strides = array<i32>} : memref<1000x256xf32, #tpu.memory_space<vmem>>, vector<1000x128xf32>,
    %get3A_12 = arith.constant 0 : index
    %get3A_13 = arith.constant 0 : index
    %get3A_14 = vector.load %arg2[%get3A_12, %get3A_13] : memref<1000x3xf32, #tpu.memory_space<vmem>>, vector<1000x3xf32>
    %swap3A_15 = arith.constant 0 : index
    %swap3A_16 = arith.constant 128 : index
    %swap3A_17 = vector.load %arg5[%swap3A_15, %swap3A_16] : memref<1000x256xf32, #tpu.memory_space<vmem>>, vector<1000x3xf32>
    tpu.vector_store %arg5[%swap3A_15, %swap3A_16], %get3A_14 {strides = array<i32>} : memref<1000x256xf32, #tpu.memory_space<vmem>>, vector<1000x3xf32>,
    %broadcast_in_dim3A = arith.constant 0.000000e+00 : f32
    %broadcast_in_dim3A_18 = vector.broadcast %broadcast_in_dim3A : f32 to vector<1000x125xf32>
    %swap3A_19 = arith.constant 0 : index
    %swap3A_20 = arith.constant 131 : index
    %swap3A_21 = vector.load %arg5[%swap3A_19, %swap3A_20] : memref<1000x256xf32, #tpu.memory_space<vmem>>, vector<1000x125xf32>
    tpu.vector_store %arg5[%swap3A_19, %swap3A_20], %broadcast_in_dim3A_18 {strides = array<i32>} : memref<1000x256xf32, #tpu.memory_space<vmem>>, vector<1000x125xf32>,
    return
  }
  func.func @transform_0(%arg0: i32) -> (i32, i32) {
    %c0_i32 = arith.constant 0 : i32
    %c0_i32_0 = arith.constant 0 : i32
    return %arg0, %c0_i32 : i32, i32
  }
  func.func @transform_1(%arg0: i32) -> (i32, i32) {
    %c0_i32 = arith.constant 0 : i32
    %c0_i32_0 = arith.constant 0 : i32
    return %arg0, %c0_i32 : i32, i32
  }
  func.func @transform_2(%arg0: i32) -> (i32, i32) {
    %c0_i32 = arith.constant 0 : i32
    %c0_i32_0 = arith.constant 0 : i32
    %c0_i32_1 = arith.constant 0 : i32
    return %c0_i32, %c0_i32_0 : i32, i32
  }
  func.func @transform_3(%arg0: i32) -> (i32, i32) {
    %c0_i32 = arith.constant 0 : i32
    %c0_i32_0 = arith.constant 0 : i32
    %c0_i32_1 = arith.constant 0 : i32
    return %c0_i32, %c0_i32_0 : i32, i32
  }
  func.func @transform_4(%arg0: i32) -> (i32, i32) {
    %c0_i32 = arith.constant 0 : i32
    %c0_i32_0 = arith.constant 0 : i32
    return %arg0, %c0_i32 : i32, i32
  }
}

module attributes {stable_mosaic.version = 14 : i64} {
  func.func @_edge_body(%arg0: i32, %arg1: memref<32x128x256xf32, #tpu.memory_space<vmem>>, %arg2: memref<128x32xf32, #tpu.memory_space<vmem>>, %arg3: memref<128x3xf32, #tpu.memory_space<vmem>>, %arg4: memref<128x128xf32, #tpu.memory_space<vmem>>, %arg5: memref<1x128xf32, #tpu.memory_space<vmem>>, %arg6: memref<128x3xf32, #tpu.memory_space<vmem>>, %arg7: memref<1x3xf32, #tpu.memory_space<vmem>>, %arg8: memref<1x256xf32, #tpu.memory_space<vmem>>, %arg9: memref<128x256xf32, #tpu.memory_space<vmem>>, %arg10: memref<128x256xf32, #tpu.memory_space<vmem>>, %arg11: memref<128x256xf32, #tpu.memory_space<vmem>>, %arg12: memref<128x3xf32, #tpu.memory_space<vmem>>) attributes {dimension_semantics = [#tpu.dimension_semantics<arbitrary>], iteration_bounds = array<i64: 40>, scalar_prefetch = 0 : i64, scratch_operands = 0 : i64, tpu.core_type = #tpu.core_type<tc>, window_params = [{transform_indices = @transform_0, window_bounds = array<i64: 32, 128, 256>}, {transform_indices = @transform_1, window_bounds = array<i64: 128, 32>}, {transform_indices = @transform_2, window_bounds = array<i64: 128, 3>}, {transform_indices = @transform_3, window_bounds = array<i64: 128, 128>}, {pipeline_mode = #tpu.pipeline_mode<synchronous>, transform_indices = @transform_4, window_bounds = array<i64: 1, 128>}, {pipeline_mode = #tpu.pipeline_mode<synchronous>, transform_indices = @transform_5, window_bounds = array<i64: 128, 3>}, {pipeline_mode = #tpu.pipeline_mode<synchronous>, transform_indices = @transform_6, window_bounds = array<i64: 1, 3>}, {pipeline_mode = #tpu.pipeline_mode<synchronous>, transform_indices = @transform_7, window_bounds = array<i64: 1, 256>}, {pipeline_mode = #tpu.pipeline_mode<synchronous>, transform_indices = @transform_8, window_bounds = array<i64: 128, 256>}, {pipeline_mode = #tpu.pipeline_mode<synchronous>, transform_indices = @transform_9, window_bounds = array<i64: 128, 256>}, {transform_indices = @transform_10, window_bounds = array<i64: 128, 256>}, {transform_indices = @transform_11, window_bounds = array<i64: 128, 3>}]} {
    %get3A = arith.constant 0 : index
    %get3A_0 = arith.constant 0 : index
    %get3A_1 = vector.load %arg5[%get3A, %get3A_0] : memref<1x128xf32, #tpu.memory_space<vmem>>, vector<1x128xf32>
    %get3A_2 = arith.constant 0 : index
    %get3A_3 = arith.constant 0 : index
    %get3A_4 = vector.load %arg3[%get3A_2, %get3A_3] : memref<128x3xf32, #tpu.memory_space<vmem>>, vector<128x3xf32>
    %get3A_5 = arith.constant 0 : index
    %get3A_6 = arith.constant 0 : index
    %get3A_7 = vector.load %arg2[%get3A_5, %get3A_6] : memref<128x32xf32, #tpu.memory_space<vmem>>, vector<128x32xf32>
    %reduce_sum3A = arith.constant dense<0.000000e+00> : vector<128xf32>
    %reduce_sum3A_8 = vector.multi_reduction <add>, %get3A_7, %reduce_sum3A [1] : vector<128x32xf32> to vector<128xf32>
    %broadcast_in_dim3A = vector.shape_cast %reduce_sum3A_8 : vector<128xf32> to vector<128x1xf32>
    %broadcast_in_dim3A_9 = arith.constant 0.000000e+00 : f32
    %broadcast_in_dim3A_10 = vector.broadcast %broadcast_in_dim3A_9 : f32 to vector<128x128xf32>
    %broadcast_in_dim3A_11 = arith.constant 0.000000e+00 : f32
    %broadcast_in_dim3A_12 = vector.broadcast %broadcast_in_dim3A_11 : f32 to vector<128x3xf32>
    %scan3A = arith.constant 0 : i32
    %scan3A_13 = arith.constant 32 : i32
    %scan3A_14 = arith.addi %scan3A, %scan3A_13 : i32
    %scan3A_15 = arith.constant 1 : i32
    %scan3A_16:2 = scf.for %scan3A_47 = %scan3A to %scan3A_14 step %scan3A_15 iter_args(%scan3A_48 = %broadcast_in_dim3A_10, %scan3A_49 = %broadcast_in_dim3A_12) -> (vector<128x128xf32>, vector<128x3xf32>)  : i32 {
      %get3A_50 = arith.index_cast %scan3A_47 : i32 to index
      %get3A_51 = arith.constant 0 : index
      %get3A_52 = arith.constant 0 : index
      %get3A_53 = vector.load %arg1[%get3A_50, %get3A_51, %get3A_52] : memref<32x128x256xf32, #tpu.memory_space<vmem>>, vector<1x128x128xf32>
      %get3A_54 = vector.shape_cast %get3A_53 : vector<1x128x128xf32> to vector<128x128xf32>
      %get3A_55 = arith.index_cast %scan3A_47 : i32 to index
      %get3A_56 = arith.constant 0 : index
      %get3A_57 = arith.constant 128 : index
      %get3A_58 = vector.load %arg1[%get3A_55, %get3A_56, %get3A_57] : memref<32x128x256xf32, #tpu.memory_space<vmem>>, vector<1x128x3xf32>
      %get3A_59 = vector.shape_cast %get3A_58 : vector<1x128x3xf32> to vector<128x3xf32>
      %sub3A = arith.subf %get3A_59, %get3A_4 : vector<128x3xf32>
      %mul3A = arith.mulf %sub3A, %sub3A : vector<128x3xf32>
      %reduce_sum3A_60 = arith.constant dense<0.000000e+00> : vector<128xf32>
      %reduce_sum3A_61 = vector.multi_reduction <add>, %mul3A, %reduce_sum3A_60 [1] : vector<128x3xf32> to vector<128xf32>
      %broadcast_in_dim3A_62 = vector.shape_cast %reduce_sum3A_61 : vector<128xf32> to vector<128x1xf32>
      %add3A_63 = arith.constant 9.99999996E-13 : f32
      %add3A_64 = vector.broadcast %add3A_63 : f32 to vector<128x1xf32>
      %add3A_65 = arith.addf %broadcast_in_dim3A_62, %add3A_64 : vector<128x1xf32>
      %sqrt3A = math.sqrt %add3A_65 : vector<128x1xf32>
      %mul3A_66 = vector.broadcast %sqrt3A : vector<128x1xf32> to vector<128x128xf32>
      %mul3A_67 = vector.broadcast %get3A_1 : vector<1x128xf32> to vector<128x128xf32>
      %mul3A_68 = arith.mulf %mul3A_66, %mul3A_67 : vector<128x128xf32>
      %add3A_69 = arith.addf %get3A_54, %mul3A_68 : vector<128x128xf32>
      %max3A_70 = arith.constant 0.000000e+00 : f32
      %max3A_71 = vector.broadcast %max3A_70 : f32 to vector<128x128xf32>
      %max3A_72 = arith.maximumf %add3A_69, %max3A_71 : vector<128x128xf32>
      %get3A_73 = arith.constant 0 : index
      %get3A_74 = arith.constant 0 : index
      %get3A_75 = vector.load %arg6[%get3A_73, %get3A_74] : memref<128x3xf32, #tpu.memory_space<vmem>>, vector<128x3xf32>
      %dot_general3A_76 = arith.constant dense<0.000000e+00> : vector<128x3xf32>
      %dot_general3A_77 = tpu.matmul %max3A_72, %get3A_75, %dot_general3A_76 {dimension_numbers = #tpu.dot_dimension_numbers<[1], [0], [0], [1], [0, 0, 1, 1], [], []>, transpose_lhs_hint = false} : vector<128x128xf32>, vector<128x3xf32>, vector<128x3xf32> -> vector<128x3xf32>
      %get3A_78 = arith.constant 0 : index
      %get3A_79 = arith.constant 0 : index
      %get3A_80 = vector.load %arg7[%get3A_78, %get3A_79] : memref<1x3xf32, #tpu.memory_space<vmem>>, vector<1x3xf32>
      %add3A_81 = vector.broadcast %get3A_80 : vector<1x3xf32> to vector<128x3xf32>
      %add3A_82 = arith.addf %dot_general3A_77, %add3A_81 : vector<128x3xf32>
      %convert_element_type3A = arith.sitofp %scan3A_47 : i32 to f32
      %sub3A_83 = vector.broadcast %convert_element_type3A : f32 to vector<128x1xf32>
      %sub3A_84 = arith.subf %broadcast_in_dim3A, %sub3A_83 : vector<128x1xf32>
      %jit3A = arith.constant 0.000000e+00 : f32
      %jit3A_85 = arith.constant 1.000000e+00 : f32
      %max3A_86 = vector.broadcast %jit3A : f32 to vector<128x1xf32>
      %max3A_87 = arith.maximumf %max3A_86, %sub3A_84 : vector<128x1xf32>
      %min3A = vector.broadcast %jit3A_85 : f32 to vector<128x1xf32>
      %min3A_88 = arith.minimumf %min3A, %max3A_87 : vector<128x1xf32>
      %mul3A_89 = vector.broadcast %min3A_88 : vector<128x1xf32> to vector<128x128xf32>
      %mul3A_90 = arith.mulf %max3A_72, %mul3A_89 : vector<128x128xf32>
      %add3A_91 = arith.addf %scan3A_48, %mul3A_90 : vector<128x128xf32>
      %mul3A_92 = arith.mulf %sub3A, %add3A_82 : vector<128x3xf32>
      %mul3A_93 = vector.broadcast %min3A_88 : vector<128x1xf32> to vector<128x3xf32>
      %mul3A_94 = arith.mulf %mul3A_92, %mul3A_93 : vector<128x3xf32>
      %add3A_95 = arith.addf %scan3A_49, %mul3A_94 : vector<128x3xf32>
      scf.yield %add3A_91, %add3A_95 : vector<128x128xf32>, vector<128x3xf32>
    }
    %scan3A_17 = arith.constant 32 : i32
    %get3A_18 = arith.constant 0 : index
    %get3A_19 = arith.constant 0 : index
    %get3A_20 = vector.load %arg4[%get3A_18, %get3A_19] : memref<128x128xf32, #tpu.memory_space<vmem>>, vector<128x128xf32>
    %get3A_21 = arith.constant 0 : index
    %get3A_22 = arith.constant 0 : index
    %get3A_23 = vector.load %arg9[%get3A_21, %get3A_22] : memref<128x256xf32, #tpu.memory_space<vmem>>, vector<128x256xf32>
    %dot_general3A = arith.constant dense<0.000000e+00> : vector<128x256xf32>
    %dot_general3A_24 = tpu.matmul %get3A_20, %get3A_23, %dot_general3A {dimension_numbers = #tpu.dot_dimension_numbers<[1], [0], [0], [1], [0, 0, 1, 1], [], []>, transpose_lhs_hint = false} : vector<128x128xf32>, vector<128x256xf32>, vector<128x256xf32> -> vector<128x256xf32>
    %get3A_25 = arith.constant 0 : index
    %get3A_26 = arith.constant 0 : index
    %get3A_27 = vector.load %arg10[%get3A_25, %get3A_26] : memref<128x256xf32, #tpu.memory_space<vmem>>, vector<128x256xf32>
    %dot_general3A_28 = arith.constant dense<0.000000e+00> : vector<128x256xf32>
    %dot_general3A_29 = tpu.matmul %scan3A_16#0, %get3A_27, %dot_general3A_28 {dimension_numbers = #tpu.dot_dimension_numbers<[1], [0], [0], [1], [0, 0, 1, 1], [], []>, transpose_lhs_hint = false} : vector<128x128xf32>, vector<128x256xf32>, vector<128x256xf32> -> vector<128x256xf32>
    %add3A = arith.addf %dot_general3A_24, %dot_general3A_29 : vector<128x256xf32>
    %get3A_30 = arith.constant 0 : index
    %get3A_31 = arith.constant 0 : index
    %get3A_32 = vector.load %arg8[%get3A_30, %get3A_31] : memref<1x256xf32, #tpu.memory_space<vmem>>, vector<1x256xf32>
    %add3A_33 = vector.broadcast %get3A_32 : vector<1x256xf32> to vector<128x256xf32>
    %add3A_34 = arith.addf %add3A, %add3A_33 : vector<128x256xf32>
    %max3A = arith.constant 0.000000e+00 : f32
    %max3A_35 = vector.broadcast %max3A : f32 to vector<128x256xf32>
    %max3A_36 = arith.maximumf %add3A_34, %max3A_35 : vector<128x256xf32>
    %swap3A = arith.constant 0 : index
    %swap3A_37 = arith.constant 0 : index
    %swap3A_38 = vector.load %arg11[%swap3A, %swap3A_37] : memref<128x256xf32, #tpu.memory_space<vmem>>, vector<128x256xf32>
    tpu.vector_store %arg11[%swap3A, %swap3A_37], %max3A_36 {strides = array<i32>} : memref<128x256xf32, #tpu.memory_space<vmem>>, vector<128x256xf32>,
    %max3A_39 = arith.constant 1.000000e+00 : f32
    %max3A_40 = vector.broadcast %max3A_39 : f32 to vector<128x1xf32>
    %max3A_41 = arith.maximumf %broadcast_in_dim3A, %max3A_40 : vector<128x1xf32>
    %div3A = vector.broadcast %max3A_41 : vector<128x1xf32> to vector<128x3xf32>
    %div3A_42 = arith.divf %scan3A_16#1, %div3A : vector<128x3xf32>
    %add3A_43 = arith.addf %get3A_4, %div3A_42 : vector<128x3xf32>
    %swap3A_44 = arith.constant 0 : index
    %swap3A_45 = arith.constant 0 : index
    %swap3A_46 = vector.load %arg12[%swap3A_44, %swap3A_45] : memref<128x3xf32, #tpu.memory_space<vmem>>, vector<128x3xf32>
    tpu.vector_store %arg12[%swap3A_44, %swap3A_45], %add3A_43 {strides = array<i32>} : memref<128x3xf32, #tpu.memory_space<vmem>>, vector<128x3xf32>,
    return
  }
  func.func @transform_0(%arg0: i32) -> (i32, i32, i32) {
    %c0_i32 = arith.constant 0 : i32
    %c0_i32_0 = arith.constant 0 : i32
    %c0_i32_1 = arith.constant 0 : i32
    return %c0_i32, %arg0, %c0_i32_0 : i32, i32, i32
  }
  func.func @transform_1(%arg0: i32) -> (i32, i32) {
    %c0_i32 = arith.constant 0 : i32
    %c0_i32_0 = arith.constant 0 : i32
    return %arg0, %c0_i32 : i32, i32
  }
  func.func @transform_2(%arg0: i32) -> (i32, i32) {
    %c0_i32 = arith.constant 0 : i32
    %c0_i32_0 = arith.constant 0 : i32
    return %arg0, %c0_i32 : i32, i32
  }
  func.func @transform_3(%arg0: i32) -> (i32, i32) {
    %c0_i32 = arith.constant 0 : i32
    %c0_i32_0 = arith.constant 0 : i32
    return %arg0, %c0_i32 : i32, i32
  }
  func.func @transform_4(%arg0: i32) -> (i32, i32) {
    %c0_i32 = arith.constant 0 : i32
    %c0_i32_0 = arith.constant 0 : i32
    %c0_i32_1 = arith.constant 0 : i32
    return %c0_i32, %c0_i32_0 : i32, i32
  }
  func.func @transform_5(%arg0: i32) -> (i32, i32) {
    %c0_i32 = arith.constant 0 : i32
    %c0_i32_0 = arith.constant 0 : i32
    %c0_i32_1 = arith.constant 0 : i32
    return %c0_i32, %c0_i32_0 : i32, i32
  }
  func.func @transform_6(%arg0: i32) -> (i32, i32) {
    %c0_i32 = arith.constant 0 : i32
    %c0_i32_0 = arith.constant 0 : i32
    %c0_i32_1 = arith.constant 0 : i32
    return %c0_i32, %c0_i32_0 : i32, i32
  }
  func.func @transform_7(%arg0: i32) -> (i32, i32) {
    %c0_i32 = arith.constant 0 : i32
    %c0_i32_0 = arith.constant 0 : i32
    %c0_i32_1 = arith.constant 0 : i32
    return %c0_i32, %c0_i32_0 : i32, i32
  }
  func.func @transform_8(%arg0: i32) -> (i32, i32) {
    %c0_i32 = arith.constant 0 : i32
    %c0_i32_0 = arith.constant 0 : i32
    %c0_i32_1 = arith.constant 0 : i32
    return %c0_i32, %c0_i32_0 : i32, i32
  }
  func.func @transform_9(%arg0: i32) -> (i32, i32) {
    %c0_i32 = arith.constant 0 : i32
    %c0_i32_0 = arith.constant 0 : i32
    %c0_i32_1 = arith.constant 0 : i32
    return %c0_i32, %c0_i32_0 : i32, i32
  }
  func.func @transform_10(%arg0: i32) -> (i32, i32) {
    %c0_i32 = arith.constant 0 : i32
    %c0_i32_0 = arith.constant 0 : i32
    return %arg0, %c0_i32 : i32, i32
  }
  func.func @transform_11(%arg0: i32) -> (i32, i32) {
    %c0_i32 = arith.constant 0 : i32
    %c0_i32_0 = arith.constant 0 : i32
    return %arg0, %c0_i32 : i32, i32
  }
}

</mosaic_0001>

<sc_bundles>
// kernel: kernel.7.cloned.1.call-start
scs
__scs_entry_jumppad:
0x0: {  	(pc) =	sbr.rel $0x88, $3  }
0x1: {  	(tag) =	ssettag $0x0;
	lr =	simm.s32 $0x1  }
0x2: {  	[smem:$0x3F98] =	sst lr;
	_ =	strace $0xD0000000  }
0x3: {  	_ = 	snop  }
0x4: {  	_ = 	snop  }
0x5: {  	_ = 	snop  }
0x6: {  	_ = 	snop  }
0x7: {  	_ = 	snop  }
__scs_overlays_trampoline_lowered:
0x8: {  	[smem:$0x3FA7] =	sst s0  }
0x9: {  	[smem:$0x3FA8] =	sst s1  }
0xa: {  	[smem:$0x3FA9] =	sst s2  }
0xb: {  	[smem:$0x3FAA] =	sst s3  }
0xc: {  	[smem:$0x3FAB] =	sst s4  }
0xd: {  	[smem:$0x3FAC] =	sst s5  }
0xe: {  	[smem:$0x3FAD] =	sst s6  }
0xf: {  	[smem:$0x3FAE] =	sst s7  }
0x10: {  	[smem:$0x3FAF] =	sst s8  }
0x11: {  	[smem:$0x3FB0] =	sst s9;
	s0 =	simm.s32 @!p0 $0x0  }
0x12: {  	s1 =	sld [smem:$0x3F96];
	s0 =	simm.s32 @p0 $0x1  }
0x13: {  	[smem:$0x3FB1] =	sst s0;
	s0 =	simm.s32 @!p1 $0x0  }
0x14: {  	s2 =	sld [smem:$0x3F95];
	s0 =	simm.s32 @p1 $0x1  }
0x15: {  	[smem:$0x3FB2] =	sst s0;
	s0 =	simm.s32 @!p2 $0x0  }
0x16: {  	s3 =	sld [smem:$0x3FDB];
	s0 =	simm.s32 @p2 $0x1  }
0x17: {  	s4 =	simm.s32 $0x1BF5;
	[smem:$0x3FB4] =	sst s0  }
0x18: {  	s0 =	sld [smem:$0x3F97];
	_ =	swait.ge [sflag:s4], $0x0  }
0x19: {  	s7 =	sld [smem:$0x3F98]  }
0x1a: {  	s8 =	sadd.s32 $0xFFFFE003, lr  }
0x1b: {  	s9 =	sadd.s32 $0xFFFFFEF7, lr;
	s5 =	simm.s32 $0xFFFFFFFF;
	p2 =	slt.u32 s8, $0xFFFFF086  }
0x1c: {  	p1 =	slt.u32 s9, $0xF7A;
	s5 =	simm.s32 @!p2 $0x0  }
0x1d: {  	s5 =	simm.s32 @p1 $0x1;
	p0 =	seq.s32 s7, s2  }
0x1e: {  	s7 =	smul.u32 @!p0 $0xF7A, s2;
	p2 =	seq.s32 @!p0 s5, $0x0  }
0x1f: {  	s9 =	smul.u32 $0xF7A, s1;
	s8 =	simm.s32 @!p0 $0x1BF5;
	p2 =	por !p2, p0  }
0x20: {  	[sflag:s8] =	ssyncset.s32 @!p0 $0xFFFFF086;
	s6 =	sadd.s32 @!p0 s3, s7;
	s7 =	simm.s32 @!p0 $0x108  }
0x21: {  	s3 =	sadd.s32 s3, s9;
	s6 =	sadd.s32 @!p0 $0x88, s6;
	s7 =	simm.s32 @p2 $0x1082  }
0x22: {  	[simem:s7], [sflag:s8] =	dma.local @!p0 [hbm:s6], $0xF7A  }
0x23: {  	s9 =	sor.u32 $0xD0000000, s2;
	s6 =	simm.s32 $0x108;
	_ =	swait.ge @!p0 [sflag:s8], $0x0  }
0x24: {  	s3 =	sadd.s32 $0x88, s3;
	s6 =	simm.s32 @!p1 $0x1082;
	[sflag:s4] =	ssyncset.s32 $0xFFFFF086  }
0x25: {  	[simem:s6], [sflag:s4] =	dma.local [hbm:s3], $0xF7A  }
0x26: {  	[smem:$0x3F98] =	sst s1;
	(tag) =	ssettag s2;
	_ =	strace s9  }
0x27: {  	s1 =	sld [smem:$0x3FA8]  }
0x28: {  	s2 =	sld [smem:$0x3FA9]  }
0x29: {  	s4 =	sld [smem:$0x3FAB]  }
0x2a: {  	p0 =	seq.s32 s5, $0x0;
	s5 =	sld [smem:$0x3FAC]  }
0x2b: {  	s6 =	sld [smem:$0x3FAD]  }
0x2c: {  	s7 =	sld [smem:$0x3FAE]  }
0x2d: {  	s3 =	simm.s32 $0x108;
	s8 =	sld [smem:$0x3FAF]  }
0x2e: {  	s3 =	simm.s32 @!p0 $0x1082;
	s9 =	sld [smem:$0x3FB0]  }
0x2f: {  	lr =	sadd.s32 s0, s3;
	s0 =	sld [smem:$0x3FA7]  }
0x30: {  	s3 =	sld [smem:$0x3FAA]  }
0x31: {  	[smem:$0x3FB3] =	sst s10  }
0x32: {  	s10 =	sld [smem:$0x3FB1];
	_ =	sdelay $0x3  }
0x33: {  	p0 =	seq.s32 s10, $0x1;
	s10 =	sld [smem:$0x3FB3];
	_ =	sdelay $0x3  }
0x34: {  	[smem:$0x3FB3] =	sst s10  }
0x35: {  	s10 =	sld [smem:$0x3FB2];
	_ =	sdelay $0x3  }
0x36: {  	p1 =	seq.s32 s10, $0x1;
	s10 =	sld [smem:$0x3FB3];
	_ =	sdelay $0x3  }
0x37: {  	[smem:$0x3FB3] =	sst s10  }
0x38: {  	s10 =	sld [smem:$0x3FB4]  }
0x39: {  	_ = 	snop;
	(pc) =	sbr.ind lr, $3  }
0x3a: {  	_ = 	snop  }
0x3b: {  	_ = 	snop  }
0x3c: {  	p2 =	seq.s32 s10, $0x1;
	s10 =	sld [smem:$0x3FB3]  }
0x3d: {  	_ =	shalt  }
0x3e: {  	_ =	shalt  }
0x3f: {  	_ =	shalt  }
0x40: {  	_ =	shalt  }
0x41: {  	_ =	shalt  }
0x42: {  	_ =	shalt  }
0x43: {  	_ =	shalt  }
0x44: {  	_ =	shalt  }
0x45: {  	_ =	shalt  }
0x46: {  	_ =	shalt  }
0x47: {  	_ =	shalt  }
0x48: {  	_ =	shalt  }
0x49: {  	_ =	shalt  }
0x4a: {  	_ =	shalt  }
0x4b: {  	_ =	shalt  }
0x4c: {  	_ =	shalt  }
0x4d: {  	_ =	shalt  }
0x4e: {  	_ =	shalt  }
0x4f: {  	_ =	shalt  }
0x50: {  	_ =	shalt  }
0x51: {  	_ =	shalt  }
0x52: {  	_ =	shalt  }
0x53: {  	_ =	shalt  }
0x54: {  	_ =	shalt  }
0x55: {  	_ =	shalt  }
0x56: {  	_ =	shalt  }
0x57: {  	_ =	shalt  }
0x58: {  	_ =	shalt  }
0x59: {  	_ =	shalt  }
0x5a: {  	_ =	shalt  }
0x5b: {  	_ =	shalt  }
0x5c: {  	_ =	shalt  }
0x5d: {  	_ =	shalt  }
0x5e: {  	_ =	shalt  }
0x5f: {  	_ =	shalt  }
0x60: {  	_ =	shalt  }
0x61: {  	_ =	shalt  }
0x62: {  	_ =	shalt  }
0x63: {  	_ =	shalt  }
0x64: {  	_ =	shalt  }
0x65: {  	_ =	shalt  }
0x66: {  	_ =	shalt  }
0x67: {  	_ =	shalt  }
0x68: {  	_ =	shalt  }
0x69: {  	_ =	shalt  }
0x6a: {  	_ =	shalt  }
0x6b: {  	_ =	shalt  }
0x6c: {  	_ =	shalt  }
0x6d: {  	_ =	shalt  }
0x6e: {  	_ =	shalt  }
0x6f: {  	_ =	shalt  }
0x70: {  	_ =	shalt  }
0x71: {  	_ =	shalt  }
0x72: {  	_ =	shalt  }
0x73: {  	_ =	shalt  }
0x74: {  	_ =	shalt  }
0x75: {  	_ =	shalt  }
0x76: {  	_ =	shalt  }
0x77: {  	_ =	shalt  }
0x78: {  	_ =	shalt  }
0x79: {  	_ =	shalt  }
0x7a: {  	_ =	shalt  }
0x7b: {  	_ =	shalt  }
0x7c: {  	_ =	shalt  }
0x7d: {  	_ =	shalt  }
0x7e: {  	_ =	shalt  }
0x7f: {  	_ =	shalt  }
0x80: {  	_ =	shalt  }
0x81: {  	_ =	shalt  }
0x82: {  	_ =	shalt  }
0x83: {  	_ =	shalt  }
0x84: {  	_ =	shalt  }
0x85: {  	_ =	shalt  }
0x86: {  	_ =	shalt  }
0x87: {  	_ =	shalt  }
.Lfunc_end0:
.L_simem_size_0:
called_computation_lowered:
.L_overlay_start_0:
0x88: {  	s2 =	sld [smem:$0x3FD9]  }
0x89: {  	s3 =	sld [smem:$0x3FFE];
	_ =	sdelay $0x1  }
0x8a: {  	s1 =	srdreg.scid  }
0x8b: {  	s0 =	sand.u32 $0x1, s1  }
0x8c: {  	s14 =	sshll.u32 s0, $0xA;
	s2 =	sadd.s32 s3, s2  }
0x8d: {  	s2 =	sadd.s32 s2, s14  }
0x8e: {  	[smem:$0x3FBF] =	sst s2  }
0x8f: {  	_ = 	snop  }
0x90: {  	s2 =	sld [smem:$0x3FD0];
	_ =	sdelay $0x2  }
0x91: {  	s4 =	simm.s32 $0xA;
	s5 =	simm.s32 $0x10;
	s15 =	sld [smem:$0x3FC9]  }
0x92: {  	[smem:s5], [sflag:s4] =	dma.local [hbm:s2], $0x1  }
0x93: {  	_ =	swait.eq [sflag:s4], $0x1  }
0x94: {  	[sflag:s4] =	ssyncset.done $0x0  }
0x95: {  	s16 =	sld [smem:$0x10];
	[sflag:s4] =	ssyncadd.s32 $0xFFFFFFFF  }
0x96: {  	s17 =	sld [smem:$0x12];
	(tm) =	ssettm $0x1  }
0x97: {  	s18 =	sld [smem:$0x3FFB];
	_ =	sdelay $0x3  }
0x98: {  	_ =	strace s18  }
0x99: {  	s5 =	sld [smem:$0x3FFC];
	_ =	sdelay $0x3  }
0x9a: {  	_ =	strace s5  }
0x9b: {  	s5 =	sld [smem:$0x3FFD];
	_ =	sdelay $0x3  }
0x9c: {  	_ =	strace s5  }
0x9d: {  	_ =	strace $0x8FFFFFFF  }
0x9e: {  	s19 =	sld [smem:$0x3FDB];
	_ =	sdelay $0x1  }
0x9f: {  	s6 =	simm.s32 $_scs_section_size  }
0xa0: {  	s7 =	simm.s32 $_size__tile_overlayer_lowered;
	s8 =	simm.s32 $_tile_overlayer_lowered  }
0xa1: {  	s22 =	simm.s32 $0x1BFF;
	s21 =	sshll.u32 s8, $0x1;
	s5 =	sadd.s32 s6, s19  }
0xa2: {  	s9 =	simm.s32 $0x0;
	s20 =	sshll.u32 s7, $0x1;
	s7 =	sadd.s32 s21, s5  }
0xa3: {  	[timem:s9], [sflag:s22] =	dma.local [hbm:s7], s20  }
0xa4: {  	_ =	swait.ge [sflag:s22], s20  }
0xa5: {  	s6 =	ssub.s32 $0x0, s20;
	[sflag:s22] =	ssyncset.done $0x0  }
0xa6: {  	[sflag:s22] =	ssyncadd.s32 s6;
	_ =	sdelay $0x1  }
0xa7: {  	s23 =	simm.s32 $0x1B8B  }
0xa8: {  	_ =	swait.ge [sflag:s23], $0x1  }
0xa9: {  	[sflag:s23] =	ssyncset.done $0x0  }
0xaa: {  	s25 =	simm.s32 $0x1B8E;
	s24 =	sld [smem:$0x3FFE];
	[sflag:s23] =	ssyncadd.s32 $0xFFFFFFFF  }
0xab: {  	s26 =	simm.s32 $execute0_lowered;
	[smem:$0x3FD2] =	sst s25  }
0xac: {  	s7 =	sshll.u32 s26, $0x1;
	_ =	strace $0x80000046;
	[dreg:$0x1] =	wrdreg $0xFFFFFFFF  }
0xad: {  	s28 =	simm.s32 $_size_execute0_lowered;
	s5 =	sadd.s32 s5, s7;
	[dreg:$0x0] =	wrdreg $0x0  }
0xae: {  	s7 =	sshll.u32 s28, $0x1;
	[dreg:$0x2] =	wrdreg s5  }
0xaf: {  	[dreg:$0x3] =	wrdreg s7  }
0xb0: {  	[dreg:$0x4] =	wrdreg $0xC0  }
0xb1: {  	_ =	task [dreg:s9], $0x5FFFF  }
0xb2: {  	[dreg:$0x1] =	wrdreg $0xFFFFFFFF  }
0xb3: {  	[dreg:$0x0] =	wrdreg $0x60  }
0xb4: {  	[dreg:$0x2] =	wrdreg s24  }
0xb5: {  	[dreg:$0x3] =	wrdreg s15  }
0xb6: {  	[dreg:$0x4] =	wrdreg s16  }
0xb7: {  	[dreg:$0x5] =	wrdreg s17  }
0xb8: {  	[dreg:$0x6] =	wrdreg $0x9  }
0xb9: {  	_ =	task.clear_ibuf [dreg:s9], $0x7FFFF;
	_ =	strace $0x90000046  }
0xba: {  	s29 =	simm.s32 $0x9;
	_ =	strace $0x80000048  }
0xbb: {  	_ =	swait.ge [sflag:s29], $0x1  }
0xbc: {  	[sflag:s29] =	ssyncadd.s32 $0xFFFFFFFF  }
0xbd: {  	_ =	strace $0x90000048  }
0xbe: {  	_ =	sfence  }
0xbf: {  	s30 =	sld [smem:$0x0];
	_ =	sdelay $0x2  }
0xc0: {  	s31 =	sshll.u32 s1, $0xD;
	s1 =	sshrl.u32 s1, $0x2  }
0xc1: {  	s3 =	sand.u32 $0x4000, s31;
	s1 =	sadd.s32 s1, s30  }
0xc2: {  	s0 =	sor.u32 s3, s0;
	s1 =	sshll.u32 s1, $0x11  }
0xc3: {  	s0 =	sor.u32 s1, s0  }
0xc4: {  	s0 =	sadd.s32 $0x8F2B, s0  }
0xc5: {  	[sflag:s0] =	ssyncadd.remote.s32 $0x1  }
0xc6: {  	_ =	sfence.sel $0xFFFF  }
0xc7: {  	[dreg:$0x0] =	wrdreg $0xFFFFFFFF;
	(pc) =	sbr.abs _section_cstart, $3  }
0xc8: {  	[dreg:$0x1] =	wrdreg $0xFFFFFFFF  }
0xc9: {  	_ =	task.clear_ibuf [dreg:s9], $0x2FFFF;
	_ =	strace $0x9FFFFFFF  }
0xca: {  	(tm) =	ssettm $0x7FFFFFFF  }
0xcb: {  	_ =	shalt  }
tec
execute0_lowered:
.L_overlay_start_1:
0x0: {  	(tag) =	ssettag $0x1  }
0x1: {  	s0 =	rddreg [dreg:$0x0]  }
0x2: {  	s1 =	rddreg [dreg:$0x3];
	s2 =	srdreg.scid  }
0x3: {  	s13 =	stileid.u32;
	s4 =	simm.s32 $0x0;
	s16 =	simm.s32 $0x3  }
0x4: {  	s17 =	simm.s32 $0x100;
	s14 =	simm.s32 $0xC900;
	s15 =	simm.s32 $0xD100  }
0x5: {  	s2 =	sand.u32 $0x1, s2;
	s3 =	smul.u32 $0x280000, s13;
	[smem:$0x7FF] =	sst s4  }
0x6: {  	s7 =	sshll.u32 s13, $0x1;
	s5 =	sadd.s32 $0x2DE00, s0;
	s20 =	smul.u32 $0x2800, s13  }
0x7: {  	s19 =	sadd.s32 $0x28E00, s0;
	s11 =	sadd.s32 $0x7C000, s0;
	s6 =	smul.u32 $0x140000, s2  }
0x8: {  	s18 =	sor.u32 s2, s7;
	s9 =	ssub.s32 $0x2, s2;
	s2 =	smul.u32 $0x1400, s2  }
0x9: {  	s13 =	simm.s32 $0xC100;
	_ =	strace $0x80000047;
	s8 =	smul.u32 $0x1400, s18  }
0xa: {  	s7 =	simm.s32 $0x9100;
	s10 =	smul.u32 $0xA0, s18;
	s12 =	sshrl.u32 s9, $0x1  }
0xb: {  	s3 =	sadd.s32 s6, s3;
	s6 =	smul.u32 $0xA00, s18;
	s9 =	ssub.s32 s9, s12  }
0xc: {  	s2 =	sadd.s32 s2, s20;
	s12 =	simm.s32 $0xB900;
	s18 =	simm.s32 $0xD900  }
0xd: {  	s20 =	simm.s32 $0xE900;
	s3 =	sshrl.u32 s3, $0x3;
	s8 =	sshrl.u32 s8, $0x3  }
0xe: {  	s21 =	sshrl.u32 s10, $0x3;
	s24 =	sadd.s32 $0x80, s10;
	s2 =	sor.u32 $0x80, s2  }
0xf: {  	s29 =	smax.u32 s9, $0x1;
	s9 =	simm.s32 $0xA100;
	s10 =	simm.s32 $0xA900  }
0x10: {  	s3 =	sadd.s32 s3, s0;
	s0 =	sadd.s32 $0x590000, s0;
	s8 =	sadd.s32 s19, s8  }
0x11: {  	s22 =	sadd.s32 s1, s21;
	s23 =	sadd.s32 s11, s6;
	[dreg:$0xc] =	wrdreg s29  }
0x12: {  	s25 =	sshrl.u32 s24, $0x3;
	s28 =	sshrl.u32 s2, $0x3;
	[dreg:$0x5] =	wrdreg s8  }
0x13: {  	s2 =	simm.s32 $0x7900;
	s21 =	simm.s32 $0xF100;
	[dreg:$0x6] =	wrdreg s22  }
0x14: {  	[dreg:$0x7] =	wrdreg s23;
	s6 =	sadd.s32 s0, s6;
	s1 =	sadd.s32 s1, s25  }
0x15: {  	s30 =	sadd.s32 s28, s19;
	s31 =	sadd.s32 $0x90000, s3;
	s3 =	simm.s32 $0x8100  }
0x16: {  	s8 =	simm.s32 $0x9900;
	s19 =	simm.s32 $0xE100;
	[dreg:$0x8] =	wrdreg s6  }
0x17: {  	s22 =	simm.s32 $0xF900;
	s23 =	simm.s32 $0x1;
	[dreg:$0x9] =	wrdreg s1  }
.Ltmp0:
0x18: {  	s25 =	simm.s32 $0x4;
	[dreg:$0xd] =	wrdreg s30;
	(pc) =	sbr.rel .LBB2_1-.Ltmp0, $4  }
0x19: {  	s6 =	sshll.u32 s24, $0x4;
	[dreg:$0xe] =	wrdreg s31;
	s1 =	simm.s32 $0x80  }
0x1a: {  	v2 =	vlaneseq.u32;
	s24 =	simm.s32 $0x2;
	s26 =	sadd.s32 s11, s6;
	s0 =	sadd.s32 s0, s6  }
0x1b: {  	vm0 =	vmmov $0xffff;
	v1 =	vshrl.u32 v2, $0x3;
	s6 =	simm.s32 $0x8900;
	s11 =	simm.s32 $0xB100;
	[dreg:$0xa] =	wrdreg s26  }
0x1c: {  	v0 =	vand.u32 $0x7, v2;
	v2 =	vor.u32 $0x8, v2;
	v1 =	vmul.u32 $0x8, v1;
	[dreg:$0xb] =	wrdreg s0;
	s0 =	simm.s32 $0x7100;
	s26 =	simm.s32 $0x0  }
.LBB2_8:
0x1d: {  	s28 =	rddreg [dreg:$0x6]  }
0x1e: {  	[tilespmem:s4], [sflag:$0x3] =	stream.linear.gather [hbm4b:s28+s4], $0x80, $0x38;
	[tilespmem:$0x18100] =	vst v63  }
0x1f: {  	_ =	swait.ge [sflag:s16], $0x80  }
0x20: {  	[sflag:s16] =	ssyncset.done $0x0  }
0x21: {  	[sflag:s16] =	ssyncadd.s32 $0xFFFFFF80  }
0x22: {  	s31 =	simm.s32 $0x10100;
	s28 =	rddreg [dreg:$0x1]  }
0x23: {  	[tilespmem:s31], [sflag:$0x1] =	stream.indirect.gather [hbm4b:s28+s1], $0x80, s4, s1, $0xb8;
	[tilespmem:$0x18100] =	vst v63  }
0x24: {  	_ =	swait.ge [sflag:s23], $0x4000  }
0x25: {  	[sflag:s23] =	ssyncset.done $0x0  }
0x26: {  	s29 =	rddreg [dreg:$0x7];
	[sflag:s23] =	ssyncadd.s32 $0xFFFFC000  }
0x27: {  	[hbm4b:s29+s4] =	stream.linear.scatter [tilespmem:s31], [sflag:$0x3], $0x4000, $0x38;
	[tilespmem:$0x18100] =	vst v63  }
0x28: {  	_ =	swait.ge [sflag:s16], $0x4000  }
0x29: {  	[sflag:s16] =	ssyncset.done $0x0  }
0x2a: {  	[sflag:s16] =	ssyncadd.s32 $0xFFFFC000  }
0x2b: {  	s0 =	simm.s32 $0x14100;
	s29 =	rddreg [dreg:$0x2]  }
0x2c: {  	[tilespmem:s0], [sflag:$0x1] =	stream.indirect.gather [hbm4b:s29+s1], $0x80, s4, s1, $0xb8;
	[tilespmem:$0x18100] =	vst v63  }
0x2d: {  	_ =	swait.ge [sflag:s23], $0x4000  }
0x2e: {  	[sflag:s23] =	ssyncset.done $0x0  }
0x2f: {  	s30 =	rddreg [dreg:$0x8];
	[sflag:s23] =	ssyncadd.s32 $0xFFFFC000  }
0x30: {  	[hbm4b:s30+s4] =	stream.linear.scatter [tilespmem:s0], [sflag:$0x3], $0x4000, $0x38;
	[tilespmem:$0x18100] =	vst v63  }
0x31: {  	_ =	swait.ge [sflag:s16], $0x4000  }
0x32: {  	[sflag:s16] =	ssyncset.done $0x0  }
0x33: {  	s30 =	rddreg [dreg:$0x9];
	[sflag:s16] =	ssyncadd.s32 $0xFFFFC000  }
0x34: {  	[tilespmem:s4], [sflag:$0x3] =	stream.linear.gather [hbm4b:s30+s4], $0x20, $0x38;
	[tilespmem:$0x18100] =	vst v63  }
0x35: {  	_ =	swait.ge [sflag:s16], $0x20  }
0x36: {  	[sflag:s16] =	ssyncset.done $0x0  }
0x37: {  	s30 =	simm.s32 $0x20;
	[sflag:s16] =	ssyncadd.s32 $0xFFFFFFE0  }
0x38: {  	[tilespmem:s31], [sflag:$0x1] =	stream.indirect.gather [hbm4b:s28+s30], $0x80, s4, s30, $0xb8;
	[tilespmem:$0x18100] =	vst v63  }
0x39: {  	_ =	swait.ge [sflag:s23], $0x1000  }
0x3a: {  	[sflag:s23] =	ssyncset.done $0x0  }
0x3b: {  	s28 =	rddreg [dreg:$0xa];
	[sflag:s23] =	ssyncadd.s32 $0xFFFFF000  }
0x3c: {  	[hbm4b:s28+s4] =	stream.linear.scatter [tilespmem:s31], [sflag:$0x3], $0x1000, $0x38;
	[tilespmem:$0x18100] =	vst v63  }
0x3d: {  	_ =	swait.ge [sflag:s16], $0x1000  }
0x3e: {  	[sflag:s16] =	ssyncset.done $0x0  }
0x3f: {  	[sflag:s16] =	ssyncadd.s32 $0xFFFFF000  }
0x40: {  	[tilespmem:s0], [sflag:$0x1] =	stream.indirect.gather [hbm4b:s29+s30], $0x80, s4, s30, $0xb8;
	[tilespmem:$0x18100] =	vst v63  }
0x41: {  	_ =	swait.ge [sflag:s23], $0x1000  }
0x42: {  	[sflag:s23] =	ssyncset.done $0x0  }
0x43: {  	s30 =	rddreg [dreg:$0xb];
	[sflag:s23] =	ssyncadd.s32 $0xFFFFF000  }
0x44: {  	[hbm4b:s30+s4] =	stream.linear.scatter [tilespmem:s0], [sflag:$0x3], $0x1000, $0x38;
	[tilespmem:$0x18100] =	vst v63  }
0x45: {  	_ =	swait.ge [sflag:s16], $0x1000  }
0x46: {  	s26 =	sadd.s32 $0x1, s26;
	s31 =	rddreg [dreg:$0xc]  }
0x47: {  	p0 =	sne.s32 s26, s31  }
.Ltmp1:
0x48: {  	_ = 	snop;
	(pc) =	sbr.rel @!p0 .LBB2_9-.Ltmp1, $3  }
0x49: {  	_ =	sdelay $0x1  }
0x4a: {  	[sflag:s16] =	ssyncset.done $0x0  }
0x4b: {  	s0 =	simm.s32 $0x7100;
	[sflag:s16] =	ssyncadd.s32 $0xFFFFF000  }
.LBB2_1:
0x4c: {  	s28 =	rddreg [dreg:$0x5]  }
0x4d: {  	[tilespmem:s4], [sflag:$0x3] =	stream.linear.gather [hbm4b:s28+s4], $0x80, $0x38;
	[tilespmem:$0x18100] =	vst v63  }
0x4e: {  	_ =	swait.ge [sflag:s16], $0x80  }
0x4f: {  	[sflag:s16] =	ssyncset.done $0x0  }
0x50: {  	[sflag:s16] =	ssyncadd.s32 $0xFFFFFF80  }
0x51: {  	v3 =	vld [tilespmem:$0x0];
	_ =	sdelay $0x4  }
0x52: {  	v4 =	vshll.u32 v3, $0x1  }
0x53: {  	v3 =	vand.u32 $0x7, v3;
	v4 =	vand.u32 $0xFFFFFFF0, v4  }
0x54: {  	v3 =	vor.u32 v3, v4  }
0x55: {  	v4 =	vperm.xlane v3, v0;
	_ =	sdelay $0x1  }
0x56: {  	v3 =	vperm.xlane v3, v2;
	v4 =	vadd.s32 v1, v4;
	_ =	sdelay $0x1  }
0x57: {  	v3 =	vadd.s32 v1, v3;
	_ =	sdelay $0x2  }
0x58: {  	[tilespmem:s17], [sflag:$0x1] =	stream.indirect_vreg.gather [hbm4b:s5+s4], $0x80, v4, vm0, $0xb8;
	[tilespmem:$0x18100] =	vst v63  }
0x59: {  	s28 =	simm.s32 $0x900  }
0x5a: {  	[tilespmem:s28], [sflag:$0x1] =	stream.indirect_vreg.gather [hbm4b:s5+s4], $0x80, v3, vm0, $0xb8;
	[tilespmem:$0x18100] =	vst v63  }
0x5b: {  	v3 =	vld [tilespmem:$0x10];
	_ =	sdelay $0x4  }
0x5c: {  	v57 =	vshll.u32 v3, $0x1  }
0x5d: {  	v3 =	vand.u32 $0x7, v3;
	v4 =	vand.u32 $0xFFFFFFF0, v57  }
0x5e: {  	v3 =	vor.u32 v3, v4  }
0x5f: {  	v4 =	vperm.xlane v3, v0;
	_ =	sdelay $0x1  }
0x60: {  	v3 =	vperm.xlane v3, v2;
	v4 =	vadd.s32 v1, v4;
	_ =	sdelay $0x1  }
0x61: {  	v3 =	vadd.s32 v1, v3;
	_ =	sdelay $0x1  }
0x62: {  	s28 =	simm.s32 $0x1100  }
0x63: {  	[tilespmem:s28], [sflag:$0x1] =	stream.indirect_vreg.gather [hbm4b:s5+s4], $0x80, v4, vm0, $0xb8;
	[tilespmem:$0x18100] =	vst v63  }
0x64: {  	s28 =	simm.s32 $0x1900  }
0x65: {  	[tilespmem:s28], [sflag:$0x1] =	stream.indirect_vreg.gather [hbm4b:s5+s4], $0x80, v3, vm0, $0xb8;
	[tilespmem:$0x18100] =	vst v63  }
0x66: {  	v3 =	vld [tilespmem:$0x20];
	_ =	sdelay $0x4  }
0x67: {  	v58 =	vshll.u32 v3, $0x1  }
0x68: {  	v3 =	vand.u32 $0x7, v3;
	v4 =	vand.u32 $0xFFFFFFF0, v58  }
0x69: {  	v3 =	vor.u32 v3, v4  }
0x6a: {  	v4 =	vperm.xlane v3, v0;
	_ =	sdelay $0x1  }
0x6b: {  	v3 =	vperm.xlane v3, v2;
	v4 =	vadd.s32 v1, v4;
	_ =	sdelay $0x1  }
0x6c: {  	v3 =	vadd.s32 v1, v3;
	_ =	sdelay $0x1  }
0x6d: {  	s28 =	simm.s32 $0x2100  }
0x6e: {  	[tilespmem:s28], [sflag:$0x1] =	stream.indirect_vreg.gather [hbm4b:s5+s4], $0x80, v4, vm0, $0xb8;
	[tilespmem:$0x18100] =	vst v63  }
0x6f: {  	s28 =	simm.s32 $0x2900  }
0x70: {  	[tilespmem:s28], [sflag:$0x1] =	stream.indirect_vreg.gather [hbm4b:s5+s4], $0x80, v3, vm0, $0xb8;
	[tilespmem:$0x18100] =	vst v63  }
0x71: {  	v3 =	vld [tilespmem:$0x30];
	_ =	sdelay $0x4  }
0x72: {  	v59 =	vshll.u32 v3, $0x1  }
0x73: {  	v3 =	vand.u32 $0x7, v3;
	v4 =	vand.u32 $0xFFFFFFF0, v59  }
0x74: {  	v3 =	vor.u32 v3, v4  }
0x75: {  	v4 =	vperm.xlane v3, v0;
	_ =	sdelay $0x1  }
0x76: {  	v3 =	vperm.xlane v3, v2;
	v4 =	vadd.s32 v1, v4;
	_ =	sdelay $0x1  }
0x77: {  	v3 =	vadd.s32 v1, v3;
	_ =	sdelay $0x1  }
0x78: {  	s28 =	simm.s32 $0x3100  }
0x79: {  	[tilespmem:s28], [sflag:$0x1] =	stream.indirect_vreg.gather [hbm4b:s5+s4], $0x80, v4, vm0, $0xb8;
	[tilespmem:$0x18100] =	vst v63  }
0x7a: {  	s28 =	simm.s32 $0x3900  }
0x7b: {  	[tilespmem:s28], [sflag:$0x1] =	stream.indirect_vreg.gather [hbm4b:s5+s4], $0x80, v3, vm0, $0xb8;
	[tilespmem:$0x18100] =	vst v63  }
0x7c: {  	v3 =	vld [tilespmem:$0x40];
	_ =	sdelay $0x4  }
0x7d: {  	v60 =	vshll.u32 v3, $0x1  }
0x7e: {  	v3 =	vand.u32 $0x7, v3;
	v4 =	vand.u32 $0xFFFFFFF0, v60  }
0x7f: {  	v3 =	vor.u32 v3, v4  }
0x80: {  	v4 =	vperm.xlane v3, v0;
	_ =	sdelay $0x1  }
0x81: {  	v3 =	vperm.xlane v3, v2;
	v4 =	vadd.s32 v1, v4;
	_ =	sdelay $0x1  }
0x82: {  	v3 =	vadd.s32 v1, v3;
	_ =	sdelay $0x1  }
0x83: {  	s28 =	simm.s32 $0x4100  }
0x84: {  	[tilespmem:s28], [sflag:$0x1] =	stream.indirect_vreg.gather [hbm4b:s5+s4], $0x80, v4, vm0, $0xb8;
	[tilespmem:$0x18100] =	vst v63  }
0x85: {  	s28 =	simm.s32 $0x4900  }
0x86: {  	[tilespmem:s28], [sflag:$0x1] =	stream.indirect_vreg.gather [hbm4b:s5+s4], $0x80, v3, vm0, $0xb8;
	[tilespmem:$0x18100] =	vst v63  }
0x87: {  	v3 =	vld [tilespmem:$0x50];
	_ =	sdelay $0x4  }
0x88: {  	v61 =	vshll.u32 v3, $0x1  }
0x89: {  	v3 =	vand.u32 $0x7, v3;
	v4 =	vand.u32 $0xFFFFFFF0, v61  }
0x8a: {  	v3 =	vor.u32 v3, v4  }
0x8b: {  	v4 =	vperm.xlane v3, v0;
	_ =	sdelay $0x1  }
0x8c: {  	v3 =	vperm.xlane v3, v2;
	v4 =	vadd.s32 v1, v4;
	_ =	sdelay $0x1  }
0x8d: {  	v3 =	vadd.s32 v1, v3;
	_ =	sdelay $0x1  }
0x8e: {  	s28 =	simm.s32 $0x5100  }
0x8f: {  	[tilespmem:s28], [sflag:$0x1] =	stream.indirect_vreg.gather [hbm4b:s5+s4], $0x80, v4, vm0, $0xb8;
	[tilespmem:$0x18100] =	vst v63  }
0x90: {  	s28 =	simm.s32 $0x5900  }
0x91: {  	[tilespmem:s28], [sflag:$0x1] =	stream.indirect_vreg.gather [hbm4b:s5+s4], $0x80, v3, vm0, $0xb8;
	[tilespmem:$0x18100] =	vst v63  }
0x92: {  	v3 =	vld [tilespmem:$0x60];
	_ =	sdelay $0x4  }
0x93: {  	v62 =	vshll.u32 v3, $0x1  }
0x94: {  	v3 =	vand.u32 $0x7, v3;
	v4 =	vand.u32 $0xFFFFFFF0, v62  }
0x95: {  	v3 =	vor.u32 v3, v4  }
0x96: {  	v4 =	vperm.xlane v3, v0;
	_ =	sdelay $0x1  }
0x97: {  	v3 =	vperm.xlane v3, v2;
	v4 =	vadd.s32 v1, v4;
	_ =	sdelay $0x1  }
0x98: {  	v3 =	vadd.s32 v1, v3;
	_ =	sdelay $0x1  }
0x99: {  	s28 =	simm.s32 $0x6100  }
0x9a: {  	[tilespmem:s28], [sflag:$0x1] =	stream.indirect_vreg.gather [hbm4b:s5+s4], $0x80, v4, vm0, $0xb8;
	[tilespmem:$0x18100] =	vst v63  }
0x9b: {  	s28 =	simm.s32 $0x6900  }
0x9c: {  	[tilespmem:s28], [sflag:$0x1] =	stream.indirect_vreg.gather [hbm4b:s5+s4], $0x80, v3, vm0, $0xb8;
	[tilespmem:$0x18100] =	vst v63  }
0x9d: {  	v3 =	vld [tilespmem:$0x70];
	_ =	sdelay $0x4  }
0x9e: {  	v63 =	vshll.u32 v3, $0x1  }
0x9f: {  	v3 =	vand.u32 $0x7, v3;
	v4 =	vand.u32 $0xFFFFFFF0, v63  }
0xa0: {  	v3 =	vor.u32 v3, v4  }
0xa1: {  	v4 =	vperm.xlane v3, v0;
	_ =	sdelay $0x1  }
0xa2: {  	v3 =	vperm.xlane v3, v2;
	v4 =	vadd.s32 v1, v4;
	_ =	sdelay $0x1  }
0xa3: {  	v3 =	vadd.s32 v1, v3  }
.Ltmp2:
0xa4: {  	_ = 	snop;
	(pc) =	sbr.rel .LBB2_2-.Ltmp2, $4  }
0xa5: {  	s29 =	rddreg [dreg:$0xd]  }
0xa6: {  	[tilespmem:s0], [sflag:$0x1] =	stream.indirect_vreg.gather [hbm4b:s5+s4], $0x80, v4, vm0, $0xb8;
	[tilespmem:$0x18100] =	vst v63  }
0xa7: {  	s30 =	simm.s32 $0x0;
	s28 =	rddreg [dreg:$0xe]  }
0xa8: {  	[tilespmem:s2], [sflag:$0x1] =	stream.indirect_vreg.gather [hbm4b:s5+s4], $0x80, v3, vm0, $0xb8;
	[tilespmem:$0x18100] =	vst v63  }
.LBB2_6:
0xa9: {  	_ =	swait.ge [sflag:s24], $0x8000  }
0xaa: {  	[sflag:s24] =	ssyncset.done $0x0  }
0xab: {  	s31 =	simm.s32 $0x3;
	[sflag:s24] =	ssyncadd.s32 $0xFFFF8000  }
0xac: {  	[hbm4b:s28+s4] =	stream.linear.scatter [tilespmem:s3], [sflag:$0x3], $0x8000, $0x38;
	[tilespmem:$0x18100] =	vst v63  }
.LBB2_7:
0xad: {  	s30 =	sadd.s32 $0x1, s30  }
0xae: {  	p0 =	sne.s32 s30, $0x28  }
.Ltmp3:
0xaf: {  	_ = 	snop;
	(pc) =	sbr.rel @!p0 .LBB2_8-.Ltmp3, $4  }
0xb0: {  	_ = 	snop  }
0xb1: {  	_ =	swait.ge [sflag:s31], $0x8000  }
0xb2: {  	[sflag:s31] =	ssyncset.done $0x0  }
0xb3: {  	s29 =	sadd.s32 $0x10, s29;
	s28 =	sadd.s32 $0x1000, s28;
	[sflag:s31] =	ssyncadd.s32 $0xFFFF8000  }
.LBB2_2:
0xb4: {  	s31 =	sand.u32 $0x1, s30  }
0xb5: {  	p0 =	seq.s32 s31, $0x1  }
.Ltmp4:
0xb6: {  	_ = 	snop;
	(pc) =	sbr.rel @p0 .LBB2_4-.Ltmp4, $1  }
0xb7: {  	_ =	sdelay $0x3  }
0xb8: {  	[tilespmem:s1], [sflag:$0x4] =	stream.linear.gather [hbm4b:s29+s4], $0x80, $0x38;
	[tilespmem:$0x18100] =	vst v63  }
0xb9: {  	s31 =	simm.s32 $0x4  }
0xba: {  	_ =	swait.ge [sflag:s31], $0x80  }
0xbb: {  	[sflag:s31] =	ssyncset.done $0x0  }
0xbc: {  	[sflag:s31] =	ssyncadd.s32 $0xFFFFFF80  }
0xbd: {  	v3 =	vld [tilespmem:$0x80];
	_ =	sdelay $0x4  }
0xbe: {  	v4 =	vshll.u32 v3, $0x1  }
0xbf: {  	v3 =	vand.u32 $0x7, v3;
	v4 =	vand.u32 $0xFFFFFFF0, v4  }
0xc0: {  	v3 =	vor.u32 v3, v4  }
0xc1: {  	v4 =	vperm.xlane v3, v0;
	_ =	sdelay $0x1  }
0xc2: {  	v3 =	vperm.xlane v3, v2;
	v4 =	vadd.s32 v1, v4;
	_ =	sdelay $0x1  }
0xc3: {  	v3 =	vadd.s32 v1, v3;
	_ =	sdelay $0x2  }
0xc4: {  	[tilespmem:s3], [sflag:$0x2] =	stream.indirect_vreg.gather [hbm4b:s5+s4], $0x80, v4, vm0, $0xb8;
	[tilespmem:$0x18100] =	vst v63  }
0xc5: {  	_ = 	snop  }
0xc6: {  	[tilespmem:s6], [sflag:$0x2] =	stream.indirect_vreg.gather [hbm4b:s5+s4], $0x80, v3, vm0, $0xb8;
	[tilespmem:$0x18100] =	vst v63  }
0xc7: {  	v3 =	vld [tilespmem:$0x90];
	_ =	sdelay $0x4  }
0xc8: {  	v57 =	vshll.u32 v3, $0x1  }
0xc9: {  	v3 =	vand.u32 $0x7, v3;
	v4 =	vand.u32 $0xFFFFFFF0, v57  }
0xca: {  	v3 =	vor.u32 v3, v4  }
0xcb: {  	v4 =	vperm.xlane v3, v0;
	_ =	sdelay $0x1  }
0xcc: {  	v3 =	vperm.xlane v3, v2;
	v4 =	vadd.s32 v1, v4;
	_ =	sdelay $0x1  }
0xcd: {  	v3 =	vadd.s32 v1, v3;
	_ =	sdelay $0x2  }
0xce: {  	[tilespmem:s7], [sflag:$0x2] =	stream.indirect_vreg.gather [hbm4b:s5+s4], $0x80, v4, vm0, $0xb8;
	[tilespmem:$0x18100] =	vst v63  }
0xcf: {  	_ = 	snop  }
0xd0: {  	[tilespmem:s8], [sflag:$0x2] =	stream.indirect_vreg.gather [hbm4b:s5+s4], $0x80, v3, vm0, $0xb8;
	[tilespmem:$0x18100] =	vst v63  }
0xd1: {  	v3 =	vld [tilespmem:$0xA0];
	_ =	sdelay $0x4  }
0xd2: {  	v58 =	vshll.u32 v3, $0x1  }
0xd3: {  	v3 =	vand.u32 $0x7, v3;
	v4 =	vand.u32 $0xFFFFFFF0, v58  }
0xd4: {  	v3 =	vor.u32 v3, v4  }
0xd5: {  	v4 =	vperm.xlane v3, v0;
	_ =	sdelay $0x1  }
0xd6: {  	v3 =	vperm.xlane v3, v2;
	v4 =	vadd.s32 v1, v4;
	_ =	sdelay $0x1  }
0xd7: {  	v3 =	vadd.s32 v1, v3;
	_ =	sdelay $0x2  }
0xd8: {  	[tilespmem:s9], [sflag:$0x2] =	stream.indirect_vreg.gather [hbm4b:s5+s4], $0x80, v4, vm0, $0xb8;
	[tilespmem:$0x18100] =	vst v63  }
0xd9: {  	_ = 	snop  }
0xda: {  	[tilespmem:s10], [sflag:$0x2] =	stream.indirect_vreg.gather [hbm4b:s5+s4], $0x80, v3, vm0, $0xb8;
	[tilespmem:$0x18100] =	vst v63  }
0xdb: {  	v3 =	vld [tilespmem:$0xB0];
	_ =	sdelay $0x4  }
0xdc: {  	v59 =	vshll.u32 v3, $0x1  }
0xdd: {  	v3 =	vand.u32 $0x7, v3;
	v4 =	vand.u32 $0xFFFFFFF0, v59  }
0xde: {  	v3 =	vor.u32 v3, v4  }
0xdf: {  	v4 =	vperm.xlane v3, v0;
	_ =	sdelay $0x1  }
0xe0: {  	v3 =	vperm.xlane v3, v2;
	v4 =	vadd.s32 v1, v4;
	_ =	sdelay $0x1  }
0xe1: {  	v3 =	vadd.s32 v1, v3;
	_ =	sdelay $0x2  }
0xe2: {  	[tilespmem:s11], [sflag:$0x2] =	stream.indirect_vreg.gather [hbm4b:s5+s4], $0x80, v4, vm0, $0xb8;
	[tilespmem:$0x18100] =	vst v63  }
0xe3: {  	_ = 	snop  }
0xe4: {  	[tilespmem:s12], [sflag:$0x2] =	stream.indirect_vreg.gather [hbm4b:s5+s4], $0x80, v3, vm0, $0xb8;
	[tilespmem:$0x18100] =	vst v63  }
0xe5: {  	v3 =	vld [tilespmem:$0xC0];
	_ =	sdelay $0x4  }
0xe6: {  	v60 =	vshll.u32 v3, $0x1  }
0xe7: {  	v3 =	vand.u32 $0x7, v3;
	v4 =	vand.u32 $0xFFFFFFF0, v60  }
0xe8: {  	v3 =	vor.u32 v3, v4  }
0xe9: {  	v4 =	vperm.xlane v3, v0;
	_ =	sdelay $0x1  }
0xea: {  	v3 =	vperm.xlane v3, v2;
	v4 =	vadd.s32 v1, v4;
	_ =	sdelay $0x1  }
0xeb: {  	v3 =	vadd.s32 v1, v3;
	_ =	sdelay $0x2  }
0xec: {  	[tilespmem:s13], [sflag:$0x2] =	stream.indirect_vreg.gather [hbm4b:s5+s4], $0x80, v4, vm0, $0xb8;
	[tilespmem:$0x18100] =	vst v63  }
0xed: {  	_ = 	snop  }
0xee: {  	[tilespmem:s14], [sflag:$0x2] =	stream.indirect_vreg.gather [hbm4b:s5+s4], $0x80, v3, vm0, $0xb8;
	[tilespmem:$0x18100] =	vst v63  }
0xef: {  	v3 =	vld [tilespmem:$0xD0];
	_ =	sdelay $0x4  }
0xf0: {  	v61 =	vshll.u32 v3, $0x1  }
0xf1: {  	v3 =	vand.u32 $0x7, v3;
	v4 =	vand.u32 $0xFFFFFFF0, v61  }
0xf2: {  	v3 =	vor.u32 v3, v4  }
0xf3: {  	v4 =	vperm.xlane v3, v0;
	_ =	sdelay $0x1  }
0xf4: {  	v3 =	vperm.xlane v3, v2;
	v4 =	vadd.s32 v1, v4;
	_ =	sdelay $0x1  }
0xf5: {  	v3 =	vadd.s32 v1, v3;
	_ =	sdelay $0x2  }
0xf6: {  	[tilespmem:s15], [sflag:$0x2] =	stream.indirect_vreg.gather [hbm4b:s5+s4], $0x80, v4, vm0, $0xb8;
	[tilespmem:$0x18100] =	vst v63  }
0xf7: {  	_ = 	snop  }
0xf8: {  	[tilespmem:s18], [sflag:$0x2] =	stream.indirect_vreg.gather [hbm4b:s5+s4], $0x80, v3, vm0, $0xb8;
	[tilespmem:$0x18100] =	vst v63  }
0xf9: {  	v3 =	vld [tilespmem:$0xE0];
	_ =	sdelay $0x4  }
0xfa: {  	v62 =	vshll.u32 v3, $0x1  }
0xfb: {  	v3 =	vand.u32 $0x7, v3;
	v4 =	vand.u32 $0xFFFFFFF0, v62  }
0xfc: {  	v3 =	vor.u32 v3, v4  }
0xfd: {  	v4 =	vperm.xlane v3, v0;
	_ =	sdelay $0x1  }
0xfe: {  	v3 =	vperm.xlane v3, v2;
	v4 =	vadd.s32 v1, v4;
	_ =	sdelay $0x1  }
0xff: {  	v3 =	vadd.s32 v1, v3;
	_ =	sdelay $0x2  }
0x100: {  	[tilespmem:s19], [sflag:$0x2] =	stream.indirect_vreg.gather [hbm4b:s5+s4], $0x80, v4, vm0, $0xb8;
	[tilespmem:$0x18100] =	vst v63  }
0x101: {  	_ = 	snop  }
0x102: {  	[tilespmem:s20], [sflag:$0x2] =	stream.indirect_vreg.gather [hbm4b:s5+s4], $0x80, v3, vm0, $0xb8;
	[tilespmem:$0x18100] =	vst v63  }
0x103: {  	v3 =	vld [tilespmem:$0xF0];
	_ =	sdelay $0x4  }
0x104: {  	v63 =	vshll.u32 v3, $0x1  }
0x105: {  	v3 =	vand.u32 $0x7, v3;
	v4 =	vand.u32 $0xFFFFFFF0, v63  }
0x106: {  	v3 =	vor.u32 v3, v4  }
0x107: {  	v4 =	vperm.xlane v3, v0;
	_ =	sdelay $0x1  }
0x108: {  	v3 =	vperm.xlane v3, v2;
	v4 =	vadd.s32 v1, v4;
	_ =	sdelay $0x1  }
0x109: {  	v3 =	vadd.s32 v1, v3;
	_ =	sdelay $0x2  }
0x10a: {  	[tilespmem:s21], [sflag:$0x2] =	stream.indirect_vreg.gather [hbm4b:s5+s4], $0x80, v4, vm0, $0xb8;
	[tilespmem:$0x18100] =	vst v63  }
0x10b: {  	_ = 	snop  }
0x10c: {  	[tilespmem:s22], [sflag:$0x2] =	stream.indirect_vreg.gather [hbm4b:s5+s4], $0x80, v3, vm0, $0xb8;
	[tilespmem:$0x18100] =	vst v63  }
.Ltmp5:
0x10d: {  	_ = 	snop;
	(pc) =	sbr.rel .LBB2_7-.Ltmp5, $4  }
0x10e: {  	_ =	swait.ge [sflag:s23], $0x8000  }
0x10f: {  	[sflag:s23] =	ssyncset.done $0x0  }
0x110: {  	[sflag:s23] =	ssyncadd.s32 $0xFFFF8000  }
0x111: {  	[hbm4b:s28+s4] =	stream.linear.scatter [tilespmem:s17], [sflag:$0x4], $0x8000, $0x38;
	[tilespmem:$0x18100] =	vst v63  }
.LBB2_4:
0x112: {  	p0 =	seq.s32 s30, $0x27  }
.Ltmp6:
0x113: {  	_ = 	snop;
	(pc) =	sbr.rel @p0 .LBB2_6-.Ltmp6, $1  }
0x114: {  	_ =	sdelay $0x3  }
0x115: {  	[tilespmem:s4], [sflag:$0x4] =	stream.linear.gather [hbm4b:s29+s4], $0x80, $0x38;
	[tilespmem:$0x18100] =	vst v63  }
0x116: {  	_ =	swait.ge [sflag:s25], $0x80  }
0x117: {  	[sflag:s25] =	ssyncset.done $0x0  }
0x118: {  	[sflag:s25] =	ssyncadd.s32 $0xFFFFFF80  }
0x119: {  	v3 =	vld [tilespmem:$0x0];
	_ =	sdelay $0x4  }
0x11a: {  	v4 =	vshll.u32 v3, $0x1  }
0x11b: {  	v3 =	vand.u32 $0x7, v3;
	v4 =	vand.u32 $0xFFFFFFF0, v4  }
0x11c: {  	v3 =	vor.u32 v3, v4  }
0x11d: {  	v4 =	vperm.xlane v3, v0;
	_ =	sdelay $0x1  }
0x11e: {  	v3 =	vperm.xlane v3, v2;
	v4 =	vadd.s32 v1, v4;
	_ =	sdelay $0x1  }
0x11f: {  	v3 =	vadd.s32 v1, v3;
	_ =	sdelay $0x2  }
0x120: {  	[tilespmem:s17], [sflag:$0x1] =	stream.indirect_vreg.gather [hbm4b:s5+s4], $0x80, v4, vm0, $0xb8;
	[tilespmem:$0x18100] =	vst v63  }
0x121: {  	s31 =	simm.s32 $0x900  }
0x122: {  	[tilespmem:s31], [sflag:$0x1] =	stream.indirect_vreg.gather [hbm4b:s5+s4], $0x80, v3, vm0, $0xb8;
	[tilespmem:$0x18100] =	vst v63  }
0x123: {  	v3 =	vld [tilespmem:$0x10];
	_ =	sdelay $0x4  }
0x124: {  	v57 =	vshll.u32 v3, $0x1  }
0x125: {  	v3 =	vand.u32 $0x7, v3;
	v4 =	vand.u32 $0xFFFFFFF0, v57  }
0x126: {  	v3 =	vor.u32 v3, v4  }
0x127: {  	v4 =	vperm.xlane v3, v0;
	_ =	sdelay $0x1  }
0x128: {  	v3 =	vperm.xlane v3, v2;
	v4 =	vadd.s32 v1, v4;
	_ =	sdelay $0x1  }
0x129: {  	v3 =	vadd.s32 v1, v3;
	_ =	sdelay $0x1  }
0x12a: {  	s31 =	simm.s32 $0x1100  }
0x12b: {  	[tilespmem:s31], [sflag:$0x1] =	stream.indirect_vreg.gather [hbm4b:s5+s4], $0x80, v4, vm0, $0xb8;
	[tilespmem:$0x18100] =	vst v63  }
0x12c: {  	s31 =	simm.s32 $0x1900  }
0x12d: {  	[tilespmem:s31], [sflag:$0x1] =	stream.indirect_vreg.gather [hbm4b:s5+s4], $0x80, v3, vm0, $0xb8;
	[tilespmem:$0x18100] =	vst v63  }
0x12e: {  	v3 =	vld [tilespmem:$0x20];
	_ =	sdelay $0x4  }
0x12f: {  	v58 =	vshll.u32 v3, $0x1  }
0x130: {  	v3 =	vand.u32 $0x7, v3;
	v4 =	vand.u32 $0xFFFFFFF0, v58  }
0x131: {  	v3 =	vor.u32 v3, v4  }
0x132: {  	v4 =	vperm.xlane v3, v0;
	_ =	sdelay $0x1  }
0x133: {  	v3 =	vperm.xlane v3, v2;
	v4 =	vadd.s32 v1, v4;
	_ =	sdelay $0x1  }
0x134: {  	v3 =	vadd.s32 v1, v3;
	_ =	sdelay $0x1  }
0x135: {  	s31 =	simm.s32 $0x2100  }
0x136: {  	[tilespmem:s31], [sflag:$0x1] =	stream.indirect_vreg.gather [hbm4b:s5+s4], $0x80, v4, vm0, $0xb8;
	[tilespmem:$0x18100] =	vst v63  }
0x137: {  	s31 =	simm.s32 $0x2900  }
0x138: {  	[tilespmem:s31], [sflag:$0x1] =	stream.indirect_vreg.gather [hbm4b:s5+s4], $0x80, v3, vm0, $0xb8;
	[tilespmem:$0x18100] =	vst v63  }
0x139: {  	v3 =	vld [tilespmem:$0x30];
	_ =	sdelay $0x4  }
0x13a: {  	v59 =	vshll.u32 v3, $0x1  }
0x13b: {  	v3 =	vand.u32 $0x7, v3;
	v4 =	vand.u32 $0xFFFFFFF0, v59  }
0x13c: {  	v3 =	vor.u32 v3, v4  }
0x13d: {  	v4 =	vperm.xlane v3, v0;
	_ =	sdelay $0x1  }
0x13e: {  	v3 =	vperm.xlane v3, v2;
	v4 =	vadd.s32 v1, v4;
	_ =	sdelay $0x1  }
0x13f: {  	v3 =	vadd.s32 v1, v3;
	_ =	sdelay $0x1  }
0x140: {  	s31 =	simm.s32 $0x3100  }
0x141: {  	[tilespmem:s31], [sflag:$0x1] =	stream.indirect_vreg.gather [hbm4b:s5+s4], $0x80, v4, vm0, $0xb8;
	[tilespmem:$0x18100] =	vst v63  }
0x142: {  	s31 =	simm.s32 $0x3900  }
0x143: {  	[tilespmem:s31], [sflag:$0x1] =	stream.indirect_vreg.gather [hbm4b:s5+s4], $0x80, v3, vm0, $0xb8;
	[tilespmem:$0x18100] =	vst v63  }
0x144: {  	v3 =	vld [tilespmem:$0x40];
	_ =	sdelay $0x4  }
0x145: {  	v60 =	vshll.u32 v3, $0x1  }
0x146: {  	v3 =	vand.u32 $0x7, v3;
	v4 =	vand.u32 $0xFFFFFFF0, v60  }
0x147: {  	v3 =	vor.u32 v3, v4  }
0x148: {  	v4 =	vperm.xlane v3, v0;
	_ =	sdelay $0x1  }
0x149: {  	v3 =	vperm.xlane v3, v2;
	v4 =	vadd.s32 v1, v4;
	_ =	sdelay $0x1  }
0x14a: {  	v3 =	vadd.s32 v1, v3;
	_ =	sdelay $0x1  }
0x14b: {  	s31 =	simm.s32 $0x4100  }
0x14c: {  	[tilespmem:s31], [sflag:$0x1] =	stream.indirect_vreg.gather [hbm4b:s5+s4], $0x80, v4, vm0, $0xb8;
	[tilespmem:$0x18100] =	vst v63  }
0x14d: {  	s31 =	simm.s32 $0x4900  }
0x14e: {  	[tilespmem:s31], [sflag:$0x1] =	stream.indirect_vreg.gather [hbm4b:s5+s4], $0x80, v3, vm0, $0xb8;
	[tilespmem:$0x18100] =	vst v63  }
0x14f: {  	v3 =	vld [tilespmem:$0x50];
	_ =	sdelay $0x4  }
0x150: {  	v61 =	vshll.u32 v3, $0x1  }
0x151: {  	v3 =	vand.u32 $0x7, v3;
	v4 =	vand.u32 $0xFFFFFFF0, v61  }
0x152: {  	v3 =	vor.u32 v3, v4  }
0x153: {  	v4 =	vperm.xlane v3, v0;
	_ =	sdelay $0x1  }
0x154: {  	v3 =	vperm.xlane v3, v2;
	v4 =	vadd.s32 v1, v4;
	_ =	sdelay $0x1  }
0x155: {  	v3 =	vadd.s32 v1, v3;
	_ =	sdelay $0x1  }
0x156: {  	s31 =	simm.s32 $0x5100  }
0x157: {  	[tilespmem:s31], [sflag:$0x1] =	stream.indirect_vreg.gather [hbm4b:s5+s4], $0x80, v4, vm0, $0xb8;
	[tilespmem:$0x18100] =	vst v63  }
0x158: {  	s31 =	simm.s32 $0x5900  }
0x159: {  	[tilespmem:s31], [sflag:$0x1] =	stream.indirect_vreg.gather [hbm4b:s5+s4], $0x80, v3, vm0, $0xb8;
	[tilespmem:$0x18100] =	vst v63  }
0x15a: {  	v3 =	vld [tilespmem:$0x60];
	_ =	sdelay $0x4  }
0x15b: {  	v62 =	vshll.u32 v3, $0x1  }
0x15c: {  	v3 =	vand.u32 $0x7, v3;
	v4 =	vand.u32 $0xFFFFFFF0, v62  }
0x15d: {  	v3 =	vor.u32 v3, v4  }
0x15e: {  	v4 =	vperm.xlane v3, v0;
	_ =	sdelay $0x1  }
0x15f: {  	v3 =	vperm.xlane v3, v2;
	v4 =	vadd.s32 v1, v4;
	_ =	sdelay $0x1  }
0x160: {  	v3 =	vadd.s32 v1, v3;
	_ =	sdelay $0x1  }
0x161: {  	s31 =	simm.s32 $0x6100  }
0x162: {  	[tilespmem:s31], [sflag:$0x1] =	stream.indirect_vreg.gather [hbm4b:s5+s4], $0x80, v4, vm0, $0xb8;
	[tilespmem:$0x18100] =	vst v63  }
0x163: {  	s31 =	simm.s32 $0x6900  }
0x164: {  	[tilespmem:s31], [sflag:$0x1] =	stream.indirect_vreg.gather [hbm4b:s5+s4], $0x80, v3, vm0, $0xb8;
	[tilespmem:$0x18100] =	vst v63  }
0x165: {  	v3 =	vld [tilespmem:$0x70];
	_ =	sdelay $0x4  }
0x166: {  	v63 =	vshll.u32 v3, $0x1  }
0x167: {  	v3 =	vand.u32 $0x7, v3;
	v4 =	vand.u32 $0xFFFFFFF0, v63  }
0x168: {  	v3 =	vor.u32 v3, v4  }
0x169: {  	v4 =	vperm.xlane v3, v0;
	_ =	sdelay $0x1  }
0x16a: {  	v3 =	vperm.xlane v3, v2;
	v4 =	vadd.s32 v1, v4;
	_ =	sdelay $0x1  }
0x16b: {  	v3 =	vadd.s32 v1, v3  }
.Ltmp7:
0x16c: {  	_ = 	snop;
	(pc) =	sbr.rel .LBB2_6-.Ltmp7, $4  }
0x16d: {  	_ = 	snop  }
0x16e: {  	[tilespmem:s0], [sflag:$0x1] =	stream.indirect_vreg.gather [hbm4b:s5+s4], $0x80, v4, vm0, $0xb8;
	[tilespmem:$0x18100] =	vst v63  }
0x16f: {  	_ = 	snop  }
0x170: {  	[tilespmem:s2], [sflag:$0x1] =	stream.indirect_vreg.gather [hbm4b:s5+s4], $0x80, v3, vm0, $0xb8;
	[tilespmem:$0x18100] =	vst v63  }
.LBB2_9:
0x171: {  	_ =	sfence.sel $0x180000  }
0x172: {  	[bflag:$0x0] =	sbarrier.arrive $0xFFFF  }
0x173: {  	_ =	strace $0x90000047  }
0x174: {  	s0 =	stileid.u32;
	[bflag:$0x2] =	sbarrier.arrive $0xFFFF  }
0x175: {  	p0 =	sne.s32 s0, $0x0;
	s0 =	rddreg [dreg:$0x4]  }
0x176: {  	s0 =	sadd.s32 @!p0 $0x100000, s0  }
0x177: {  	[sflag:s0] =	ssyncadd.tile.s32 @!p0 $0x1;
	_ =	shalt  }
.Lfunc_end2:
_tile_overlayer_lowered:
.L_overlay_start_2:
0x178: {  	(tag) =	ssettag $0x2  }
0x179: {  	s0 =	rddreg [dreg:$0x0];
	s2 =	stileid.u32  }
0x17a: {  	s1 =	rddreg [dreg:$0x1];
	p0 =	sne.s32 s2, $0x0  }
0x17b: {  	s3 =	rddreg [dreg:$0x2];
	[bflag:$0x3] =	sbarrier.arrive $0xFFFF;
	s2 =	simm.s32 @!p0 $0x1C03  }
0x17c: {  	[timem:s3], [sflag:s2] =	dma.local @!p0 [hbm:s0], s1  }
0x17d: {  	s0 =	simm.s32 @!p0 $0x3  }
0x17e: {  	_ =	swait.ge @!p0 [sflag:s0], s1  }
0x17f: {  	s1 =	ssub.s32 @!p0 $0x0, s1;
	[sflag:s0] =	ssyncset.done @!p0 $0x0  }
0x180: {  	[sflag:s0] =	ssyncadd.s32 @!p0 s1  }
0x181: {  	[bflag:$0x3] =	sbarrier.arrive $0xFFFF  }
0x182: {  	_ =	shalt  }

</sc_bundles>
